<compile_context>
chip_gen: v7x
topology: tpu7x:2x2x1
jax: 0.10.2.dev20260603
libtpu: 0.0.44.dev20260713+nightly
codegen_flags: <defaults>
</compile_context>

<pallas_src>
import functools

import jax
import jax.numpy as jnp
from jax import lax
from jax.experimental import pallas as pl
from jax.experimental.pallas import tpu as pltpu
from jax.experimental.pallas import tpu_sc as plsc

N = 10000
E = 160000
D = 256
DE = 16
H = 256

NC = 2
NS = 16
N_PAD = 10240
ECH = E // 128
CPC = ECH // NC
NSEG = 5
SEG = CPC // NSEG


def _sc_scatter_kernel(idx_hbm, attr_hbm, out_hbm,
                       idx_v0, idx_v1, val_v0, val_v1, acc, sems):
    c = lax.axis_index("c")
    f = lax.axis_index("s")
    rb = f // 8
    rf = f % 8

    idx_bufs = (idx_v0, idx_v1)
    val_bufs = (val_v0, val_v1)

    def _start(g):
        cb0 = c * CPC + g * SEG
        di = pltpu.async_copy(idx_hbm.at[pl.ds(cb0, SEG), 0],
                              idx_bufs[g % 2], sems.at[g % 2, 0])
        dv = pltpu.async_copy(attr_hbm.at[rb, pl.ds(cb0, SEG), rf],
                              val_bufs[g % 2], sems.at[g % 2, 1])
        return di, dv

    descs = [None] * NSEG
    descs[0] = _start(0)

    @plsc.parallel_loop(0, N_PAD // 16, unroll=8)
    def _zero(i):
        acc[pl.ds(i * 16, 16)] = jnp.zeros((16,), jnp.float32)
    for g in range(NSEG):
        if g + 1 < NSEG:
            descs[g + 1] = _start(g + 1)
        for dd in descs[g]:
            dd.wait()
        idx_v = idx_bufs[g % 2]
        val_v = val_bufs[g % 2]

        @plsc.parallel_loop(0, SEG * 8, unroll=16)
        def _accum(i):
            ch = i // 8
            l = i % 8
            idx16 = idx_v[ch, pl.ds(l * 16, 16)]
            v16 = val_v[ch, pl.ds(l * 16, 16)]
            plsc.addupdate_scatter(acc, [idx16], v16)

    pltpu.sync_copy(acc, out_hbm.at[pl.ds((c * NS + f) * N_PAD, N_PAD)])


def _sc_scatter(idx3, attr4):
    mesh = plsc.VectorSubcoreMesh(core_axis_name="c", subcore_axis_name="s")
    return pl.kernel(
        _sc_scatter_kernel,
        out_type=jax.ShapeDtypeStruct((NC * NS * N_PAD,), jnp.float32),
        mesh=mesh,
        scratch_types=[
            pltpu.VMEM((SEG, 128), jnp.int32),
            pltpu.VMEM((SEG, 128), jnp.int32),
            pltpu.VMEM((SEG, 128), jnp.float32),
            pltpu.VMEM((SEG, 128), jnp.float32),
            pltpu.VMEM((N_PAD,), jnp.float32),
            pltpu.SemaphoreType.DMA((2, 2)),
        ],
        compiler_params=pltpu.CompilerParams(use_tc_tiling_on_sc=False,
                                             needs_layout_passes=False),
    )(idx3, attr4)


BLK = 2048
QCH = BLK // 128


def _mlp_kernel(x_ref, ea_ref, w1x_ref, w1e_ref, b1_ref,
                w2_ref, b2_ref, w3_ref, b3_ref, out_ref):
    hea = jnp.concatenate(
        [jnp.dot((ea_ref[0, :, q, :] + ea_ref[1, :, q, :]).T, w1e_ref[...],
                 preferred_element_type=jnp.float32)
         for q in range(QCH)], axis=0)
    h = (jnp.dot(x_ref[...], w1x_ref[...], preferred_element_type=jnp.float32)
         + hea + b1_ref[...])
    h = jnp.where(h >= 0, h, 0.01 * h)
    h = jnp.dot(h, w2_ref[...], preferred_element_type=jnp.float32) + b2_ref[...]
    h = jnp.where(h >= 0, h, 0.01 * h)
    h = jnp.dot(h, w3_ref[...], preferred_element_type=jnp.float32) + b3_ref[...]
    out_ref[...] = h


def _mlp(x, ea4, w1x, w1e, b1, w2, b2, w3, b3):
    grid = (-(-N // BLK),)
    full = lambda shape: pl.BlockSpec(shape, lambda i: (0,) * len(shape))
    return pl.pallas_call(
        _mlp_kernel,
        grid=grid,
        in_specs=[
            pl.BlockSpec((BLK, D), lambda i: (i, 0)),
            pl.BlockSpec((NC, NS, QCH, 128), lambda i: (0, 0, i, 0)),
            full((D, H)),
            full((DE, H)),
            full((1, H)),
            full((H, H)),
            full((1, H)),
            full((H, H)),
            full((1, H)),
        ],
        out_specs=pl.BlockSpec((BLK, H), lambda i: (i, 0)),
        out_shape=jax.ShapeDtypeStruct((N, H), jnp.float32),
    )(x, ea4, w1x, w1e, b1, w2, b2, w3, b3)


def kernel(x, edge_index, edge_attr, u, batch, W1, b1, W2, b2, W3, b3):
    idx3 = edge_index.reshape(2, ECH, 128).transpose(1, 0, 2)
    attr4 = edge_attr.T.reshape(2, 8, ECH, 128).transpose(0, 2, 1, 3)

    ea_flat = _sc_scatter(idx3, attr4)
    ea4 = ea_flat.reshape(NC, NS, N_PAD // 128, 128)

    return _mlp(x, ea4, W1[:D], W1[D:], b1[None, :],
                W2, b2[None, :], W3, b3[None, :])

# --- scband reference (transcript-rebuilt; emitter-appended) ---
"""Pipeline reference for scband-node-mlp-1-5162550689855 (READ-ONLY COPY).

The authoritative reference and input builder live on the scoring server;
editing this copy changes nothing except your own understanding.
"""

import jax, jax.numpy as jnp
import numpy as np

N = 10000
E = 160000
D = 256
DE = 16
H = 256

def setup_inputs(seed: int = 0) -> dict:
    key = jax.random.key(seed)
    ks = jax.random.split(key, 12)
    x = jax.random.normal(ks[0], (N, D), dtype=jnp.float32)
    edge_index = jax.random.randint(ks[1], (2, E), 0, N, dtype=jnp.int32)
    edge_attr = jax.random.normal(ks[2], (E, DE), dtype=jnp.float32)
    u = jnp.zeros((1, 128), dtype=jnp.float32)
    batch = jnp.zeros((N,), dtype=jnp.int32)
    W1 = jax.random.normal(ks[3], (D + DE, H), dtype=jnp.float32) * 0.05
    b1 = jax.random.normal(ks[4], (H,), dtype=jnp.float32) * 0.05
    W2 = jax.random.normal(ks[5], (H, H), dtype=jnp.float32) * 0.05
    b2 = jax.random.normal(ks[6], (H,), dtype=jnp.float32) * 0.05
    W3 = jax.random.normal(ks[7], (H, H), dtype=jnp.float32) * 0.05
    b3 = jax.random.normal(ks[8], (H,), dtype=jnp.float32) * 0.05
    return {"x": x, "edge_index": edge_index, "edge_attr": edge_attr, "u": u, "batch": batch,
            "W1": W1, "b1": b1, "W2": W2, "b2": b2, "W3": W3, "b3": b3}

def reference(x, edge_index, edge_attr, u, batch, W1, b1, W2, b2, W3, b3):
    # scatter_add(edge_attr, row, dim=0, dim_size=N)
    row = edge_index[0]
    ea = jax.ops.segment_sum(edge_attr, row, num_segments=x.shape[0])
    out = jnp.concatenate([x, ea], axis=1)
    # node_mlp_1: Linear -> Dropout(p=0, no-op) -> LeakyReLU -> Linear -> Dropout -> LeakyReLU -> Linear
    h = out @ W1 + b1
    h = jax.nn.leaky_relu(h, negative_slope=0.01)
    h = h @ W2 + b2
    h = jax.nn.leaky_relu(h, negative_slope=0.01)
    h = h @ W3 + b3
    return h

if __name__ == "__main__":
    import jax
    _d = setup_inputs()
    print(jax.jit(kernel)(*tuple(_d.values())))

</pallas_src>

<mosaic_0001>
#map = affine_map<(d0, d1) -> (0, 0, 0)>
#map1 = affine_map<(d0, d1) -> (0, 0, 0, 0)>
#map2 = affine_map<(d0, d1) -> (0)>
module attributes {stable_mosaic.version = 14 : i64} {
  func.func @_sc_scatter_kernel(%arg0: i32, %arg1: i32, %arg2: memref<1250x2x128xi32, #tpu.memory_space<hbm>>, %arg3: memref<2x1250x8x128xf32, #tpu.memory_space<hbm>>, %arg4: memref<327680xf32, #tpu.memory_space<hbm>>, %arg5: memref<125x128xi32, #tpu.memory_space<vmem>>, %arg6: memref<125x128xi32, #tpu.memory_space<vmem>>, %arg7: memref<125x128xf32, #tpu.memory_space<vmem>>, %arg8: memref<125x128xf32, #tpu.memory_space<vmem>>, %arg9: memref<10240xf32, #tpu.memory_space<vmem>>, %arg10: memref<2x2x!tpu.dma_semaphore, #tpu.memory_space<semaphore_mem>>) attributes {dimension_semantics = [#tpu.dimension_semantics<core_parallel>, #tpu.dimension_semantics<subcore_parallel>], iteration_bounds = array<i64: 2, 16>, scalar_prefetch = 0 : i64, scratch_operands = 6 : i64, tpu.core_type = #tpu.core_type<sc_vector_subcore>, window_params = [{transform_indices = #map}, {transform_indices = #map1}, {transform_indices = #map2}]} {
    %jit3A = arith.constant 8 : i32
    %div3A = arith.divsi %arg1, %jit3A : i32
    %sign3A = arith.constant 0 : i32
    %sign3A_0 = arith.cmpi sgt, %arg1, %sign3A : i32
    %sign3A_1 = arith.extui %sign3A_0 : i1 to i32
    %sign3A_2 = arith.constant 0 : i32
    %sign3A_3 = arith.cmpi slt, %arg1, %sign3A_2 : i32
    %sign3A_4 = arith.extui %sign3A_3 : i1 to i32
    %sign3A_5 = arith.subi %sign3A_1, %sign3A_4 : i32
    %sign3A_6 = arith.constant 0 : i32
    %sign3A_7 = arith.cmpi sgt, %jit3A, %sign3A_6 : i32
    %sign3A_8 = arith.extui %sign3A_7 : i1 to i32
    %sign3A_9 = arith.constant 0 : i32
    %sign3A_10 = arith.cmpi slt, %jit3A, %sign3A_9 : i32
    %sign3A_11 = arith.extui %sign3A_10 : i1 to i32
    %sign3A_12 = arith.subi %sign3A_8, %sign3A_11 : i32
    %ne3A = arith.cmpi ne, %sign3A_5, %sign3A_12 : i32
    %rem3A = arith.remsi %arg1, %jit3A : i32
    %ne3A_13 = arith.constant 0 : i32
    %ne3A_14 = arith.cmpi ne, %rem3A, %ne3A_13 : i32
    %and3A = arith.andi %ne3A, %ne3A_14 : i1
    %sub3A = arith.constant 1 : i32
    %sub3A_15 = arith.subi %div3A, %sub3A : i32
    %select_n3A = arith.select %and3A, %sub3A_15, %div3A : i32
    %jit3A_16 = arith.constant 8 : i32
    %eq3A = arith.constant 0 : i32
    %eq3A_17 = arith.cmpi eq, %jit3A_16, %eq3A : i32
    %jit3A_18 = arith.constant 1 : i32
    %select_n3A_19 = arith.select %eq3A_17, %jit3A_18, %jit3A_16 : i32
    %rem3A_20 = arith.remsi %arg1, %select_n3A_19 : i32
    %ne3A_21 = arith.constant 0 : i32
    %ne3A_22 = arith.cmpi ne, %rem3A_20, %ne3A_21 : i32
    %lt3A = arith.constant 0 : i32
    %lt3A_23 = arith.cmpi slt, %rem3A_20, %lt3A : i32
    %lt3A_24 = arith.constant 0 : i32
    %lt3A_25 = arith.cmpi slt, %select_n3A_19, %lt3A_24 : i32
    %ne3A_26 = arith.xori %lt3A_23, %lt3A_25 : i1
    %and3A_27 = arith.andi %ne3A_26, %ne3A_22 : i1
    %add3A = arith.addi %rem3A_20, %select_n3A_19 : i32
    %select_n3A_28 = arith.select %and3A_27, %add3A, %rem3A_20 : i32
    %mul3A = arith.constant 625 : i32
    %mul3A_29 = arith.muli %arg0, %mul3A : i32
    %add3A_30 = arith.constant 0 : i32
    %add3A_31 = arith.addi %mul3A_29, %add3A_30 : i32
    %dma_start3A = arith.constant 0 : i32
    %dma_start3A_32 = arith.constant 0 : i32
    %dma_start3A_33 = arith.constant 0 : i32
    %dma_start3A_34 = arith.constant 0 : i32
    %dma_start3A_35 = tpu.memref_slice %arg2[%add3A_31, %dma_start3A, %dma_start3A_34] : memref<1250x2x128xi32, #tpu.memory_space<hbm>> -> memref<125x1x128xi32, #tpu.memory_space<hbm>>
    %dma_start3A_36 = tpu.memref_squeeze %dma_start3A_35 : memref<125x1x128xi32, #tpu.memory_space<hbm>> -> memref<125x128xi32, #tpu.memory_space<hbm>>
    %dma_start3A_37 = tpu.memref_slice %arg10[%dma_start3A_32, %dma_start3A_33] : memref<2x2x!tpu.dma_semaphore, #tpu.memory_space<semaphore_mem>> -> memref<1x1x!tpu.dma_semaphore, #tpu.memory_space<semaphore_mem>>
    %dma_start3A_38 = tpu.memref_squeeze %dma_start3A_37 : memref<1x1x!tpu.dma_semaphore, #tpu.memory_space<semaphore_mem>> -> memref<!tpu.dma_semaphore, #tpu.memory_space<semaphore_mem>>
    %dma_start3A_39 = arith.constant 0 : i32
    %dma_start3A_40 = tpu.memref_slice %arg2[%add3A_31, %dma_start3A, %dma_start3A_39] : memref<1250x2x128xi32, #tpu.memory_space<hbm>> -> memref<125x1x128xi32, #tpu.memory_space<hbm>>
    %dma_start3A_41 = tpu.memref_squeeze %dma_start3A_40 : memref<125x1x128xi32, #tpu.memory_space<hbm>> -> memref<125x128xi32, #tpu.memory_space<hbm>>
    tpu.enqueue_dma source(%dma_start3A_41 : memref<125x128xi32, #tpu.memory_space<hbm>>) target(%arg5 : memref<125x128xi32, #tpu.memory_space<vmem>>) target_semaphore(%dma_start3A_38 : memref<!tpu.dma_semaphore, #tpu.memory_space<semaphore_mem>>)
    %dma_start3A_42 = arith.constant 0 : i32
    %dma_start3A_43 = arith.constant 1 : i32
    %dma_start3A_44 = arith.constant 0 : i32
    %dma_start3A_45 = tpu.memref_slice %arg3[%select_n3A, %add3A_31, %select_n3A_28, %dma_start3A_44] : memref<2x1250x8x128xf32, #tpu.memory_space<hbm>> -> memref<1x125x1x128xf32, #tpu.memory_space<hbm>>
    %dma_start3A_46 = tpu.memref_squeeze %dma_start3A_45 : memref<1x125x1x128xf32, #tpu.memory_space<hbm>> -> memref<125x128xf32, #tpu.memory_space<hbm>>
    %dma_start3A_47 = tpu.memref_slice %arg10[%dma_start3A_42, %dma_start3A_43] : memref<2x2x!tpu.dma_semaphore, #tpu.memory_space<semaphore_mem>> -> memref<1x1x!tpu.dma_semaphore, #tpu.memory_space<semaphore_mem>>
    %dma_start3A_48 = tpu.memref_squeeze %dma_start3A_47 : memref<1x1x!tpu.dma_semaphore, #tpu.memory_space<semaphore_mem>> -> memref<!tpu.dma_semaphore, #tpu.memory_space<semaphore_mem>>
    %dma_start3A_49 = arith.constant 0 : i32
    %dma_start3A_50 = tpu.memref_slice %arg3[%select_n3A, %add3A_31, %select_n3A_28, %dma_start3A_49] : memref<2x1250x8x128xf32, #tpu.memory_space<hbm>> -> memref<1x125x1x128xf32, #tpu.memory_space<hbm>>
    %dma_start3A_51 = tpu.memref_squeeze %dma_start3A_50 : memref<1x125x1x128xf32, #tpu.memory_space<hbm>> -> memref<125x128xf32, #tpu.memory_space<hbm>>
    tpu.enqueue_dma source(%dma_start3A_51 : memref<125x128xf32, #tpu.memory_space<hbm>>) target(%arg7 : memref<125x128xf32, #tpu.memory_space<vmem>>) target_semaphore(%dma_start3A_48 : memref<!tpu.dma_semaphore, #tpu.memory_space<semaphore_mem>>)
    %parallel_loop3A = arith.constant 0 : i32
    %parallel_loop3A_52 = arith.constant 640 : i32
    %parallel_loop3A_53 = arith.constant 1 : i32
    scf.for %parallel_loop3A_278 = %parallel_loop3A to %parallel_loop3A_52 step %parallel_loop3A_53  : i32 {
      %parallel_loop3A_279 = arith.constant 0.000000e+00 : f32
      %parallel_loop3A_280 = vector.broadcast %parallel_loop3A_279 : f32 to vector<16xf32>
      %parallel_loop3A_281 = arith.constant 16 : i32
      %parallel_loop3A_282 = arith.muli %parallel_loop3A_278, %parallel_loop3A_281 : i32
      %parallel_loop3A_283 = arith.index_cast %parallel_loop3A_282 : i32 to index
      %parallel_loop3A_284 = tpu.vector_load %arg9[%parallel_loop3A_283] {strides = array<i32>} : memref<10240xf32, #tpu.memory_space<vmem>>, vector<16xf32>,
      tpu.vector_store %arg9[%parallel_loop3A_283], %parallel_loop3A_280 {strides = array<i32>} : memref<10240xf32, #tpu.memory_space<vmem>>, vector<16xf32>,
    } {sc.loop_unroll_factor = 8 : i64, sc.parallel_access}
    %mul3A_54 = arith.constant 625 : i32
    %mul3A_55 = arith.muli %arg0, %mul3A_54 : i32
    %add3A_56 = arith.constant 125 : i32
    %add3A_57 = arith.addi %mul3A_55, %add3A_56 : i32
    %dma_start3A_58 = arith.constant 0 : i32
    %dma_start3A_59 = arith.constant 1 : i32
    %dma_start3A_60 = arith.constant 0 : i32
    %dma_start3A_61 = arith.constant 0 : i32
    %dma_start3A_62 = tpu.memref_slice %arg2[%add3A_57, %dma_start3A_58, %dma_start3A_61] : memref<1250x2x128xi32, #tpu.memory_space<hbm>> -> memref<125x1x128xi32, #tpu.memory_space<hbm>>
    %dma_start3A_63 = tpu.memref_squeeze %dma_start3A_62 : memref<125x1x128xi32, #tpu.memory_space<hbm>> -> memref<125x128xi32, #tpu.memory_space<hbm>>
    %dma_start3A_64 = tpu.memref_slice %arg10[%dma_start3A_59, %dma_start3A_60] : memref<2x2x!tpu.dma_semaphore, #tpu.memory_space<semaphore_mem>> -> memref<1x1x!tpu.dma_semaphore, #tpu.memory_space<semaphore_mem>>
    %dma_start3A_65 = tpu.memref_squeeze %dma_start3A_64 : memref<1x1x!tpu.dma_semaphore, #tpu.memory_space<semaphore_mem>> -> memref<!tpu.dma_semaphore, #tpu.memory_space<semaphore_mem>>
    %dma_start3A_66 = arith.constant 0 : i32
    %dma_start3A_67 = tpu.memref_slice %arg2[%add3A_57, %dma_start3A_58, %dma_start3A_66] : memref<1250x2x128xi32, #tpu.memory_space<hbm>> -> memref<125x1x128xi32, #tpu.memory_space<hbm>>
    %dma_start3A_68 = tpu.memref_squeeze %dma_start3A_67 : memref<125x1x128xi32, #tpu.memory_space<hbm>> -> memref<125x128xi32, #tpu.memory_space<hbm>>
    tpu.enqueue_dma source(%dma_start3A_68 : memref<125x128xi32, #tpu.memory_space<hbm>>) target(%arg6 : memref<125x128xi32, #tpu.memory_space<vmem>>) target_semaphore(%dma_start3A_65 : memref<!tpu.dma_semaphore, #tpu.memory_space<semaphore_mem>>)
    %dma_start3A_69 = arith.constant 1 : i32
    %dma_start3A_70 = arith.constant 1 : i32
    %dma_start3A_71 = arith.constant 0 : i32
    %dma_start3A_72 = tpu.memref_slice %arg3[%select_n3A, %add3A_57, %select_n3A_28, %dma_start3A_71] : memref<2x1250x8x128xf32, #tpu.memory_space<hbm>> -> memref<1x125x1x128xf32, #tpu.memory_space<hbm>>
    %dma_start3A_73 = tpu.memref_squeeze %dma_start3A_72 : memref<1x125x1x128xf32, #tpu.memory_space<hbm>> -> memref<125x128xf32, #tpu.memory_space<hbm>>
    %dma_start3A_74 = tpu.memref_slice %arg10[%dma_start3A_69, %dma_start3A_70] : memref<2x2x!tpu.dma_semaphore, #tpu.memory_space<semaphore_mem>> -> memref<1x1x!tpu.dma_semaphore, #tpu.memory_space<semaphore_mem>>
    %dma_start3A_75 = tpu.memref_squeeze %dma_start3A_74 : memref<1x1x!tpu.dma_semaphore, #tpu.memory_space<semaphore_mem>> -> memref<!tpu.dma_semaphore, #tpu.memory_space<semaphore_mem>>
    %dma_start3A_76 = arith.constant 0 : i32
    %dma_start3A_77 = tpu.memref_slice %arg3[%select_n3A, %add3A_57, %select_n3A_28, %dma_start3A_76] : memref<2x1250x8x128xf32, #tpu.memory_space<hbm>> -> memref<1x125x1x128xf32, #tpu.memory_space<hbm>>
    %dma_start3A_78 = tpu.memref_squeeze %dma_start3A_77 : memref<1x125x1x128xf32, #tpu.memory_space<hbm>> -> memref<125x128xf32, #tpu.memory_space<hbm>>
    tpu.enqueue_dma source(%dma_start3A_78 : memref<125x128xf32, #tpu.memory_space<hbm>>) target(%arg8 : memref<125x128xf32, #tpu.memory_space<vmem>>) target_semaphore(%dma_start3A_75 : memref<!tpu.dma_semaphore, #tpu.memory_space<semaphore_mem>>)
    %dma_wait3A = arith.constant 0 : i32
    %dma_wait3A_79 = arith.constant 0 : i32
    %dma_wait3A_80 = arith.constant 0 : i32
    %dma_wait3A_81 = arith.constant 0 : i32
    %dma_wait3A_82 = tpu.memref_slice %arg2[%add3A_31, %dma_wait3A, %dma_wait3A_81] : memref<1250x2x128xi32, #tpu.memory_space<hbm>> -> memref<125x1x128xi32, #tpu.memory_space<hbm>>
    %dma_wait3A_83 = tpu.memref_squeeze %dma_wait3A_82 : memref<125x1x128xi32, #tpu.memory_space<hbm>> -> memref<125x128xi32, #tpu.memory_space<hbm>>
    %dma_wait3A_84 = tpu.memref_slice %arg10[%dma_wait3A_79, %dma_wait3A_80] : memref<2x2x!tpu.dma_semaphore, #tpu.memory_space<semaphore_mem>> -> memref<1x1x!tpu.dma_semaphore, #tpu.memory_space<semaphore_mem>>
    %dma_wait3A_85 = tpu.memref_squeeze %dma_wait3A_84 : memref<1x1x!tpu.dma_semaphore, #tpu.memory_space<semaphore_mem>> -> memref<!tpu.dma_semaphore, #tpu.memory_space<semaphore_mem>>
    %dma_wait3A_86 = arith.constant 0 : i32
    %dma_wait3A_87 = tpu.memref_slice %arg2[%add3A_31, %dma_wait3A, %dma_wait3A_86] : memref<1250x2x128xi32, #tpu.memory_space<hbm>> -> memref<125x1x128xi32, #tpu.memory_space<hbm>>
    %dma_wait3A_88 = tpu.memref_squeeze %dma_wait3A_87 : memref<125x1x128xi32, #tpu.memory_space<hbm>> -> memref<125x128xi32, #tpu.memory_space<hbm>>
    tpu.wait_dma2 semaphore(%dma_wait3A_85 : memref<!tpu.dma_semaphore, #tpu.memory_space<semaphore_mem>>) src(%dma_wait3A_88 : memref<125x128xi32, #tpu.memory_space<hbm>>) dst(%arg5 : memref<125x128xi32, #tpu.memory_space<vmem>>)
    %dma_wait3A_89 = arith.constant 0 : i32
    %dma_wait3A_90 = arith.constant 1 : i32
    %dma_wait3A_91 = arith.constant 0 : i32
    %dma_wait3A_92 = tpu.memref_slice %arg3[%select_n3A, %add3A_31, %select_n3A_28, %dma_wait3A_91] : memref<2x1250x8x128xf32, #tpu.memory_space<hbm>> -> memref<1x125x1x128xf32, #tpu.memory_space<hbm>>
    %dma_wait3A_93 = tpu.memref_squeeze %dma_wait3A_92 : memref<1x125x1x128xf32, #tpu.memory_space<hbm>> -> memref<125x128xf32, #tpu.memory_space<hbm>>
    %dma_wait3A_94 = tpu.memref_slice %arg10[%dma_wait3A_89, %dma_wait3A_90] : memref<2x2x!tpu.dma_semaphore, #tpu.memory_space<semaphore_mem>> -> memref<1x1x!tpu.dma_semaphore, #tpu.memory_space<semaphore_mem>>
    %dma_wait3A_95 = tpu.memref_squeeze %dma_wait3A_94 : memref<1x1x!tpu.dma_semaphore, #tpu.memory_space<semaphore_mem>> -> memref<!tpu.dma_semaphore, #tpu.memory_space<semaphore_mem>>
    %dma_wait3A_96 = arith.constant 0 : i32
    %dma_wait3A_97 = tpu.memref_slice %arg3[%select_n3A, %add3A_31, %select_n3A_28, %dma_wait3A_96] : memref<2x1250x8x128xf32, #tpu.memory_space<hbm>> -> memref<1x125x1x128xf32, #tpu.memory_space<hbm>>
    %dma_wait3A_98 = tpu.memref_squeeze %dma_wait3A_97 : memref<1x125x1x128xf32, #tpu.memory_space<hbm>> -> memref<125x128xf32, #tpu.memory_space<hbm>>
    tpu.wait_dma2 semaphore(%dma_wait3A_95 : memref<!tpu.dma_semaphore, #tpu.memory_space<semaphore_mem>>) src(%dma_wait3A_98 : memref<125x128xf32, #tpu.memory_space<hbm>>) dst(%arg7 : memref<125x128xf32, #tpu.memory_space<vmem>>)
    %parallel_loop3A_99 = arith.constant 0 : i32
    %parallel_loop3A_100 = arith.constant 1000 : i32
    %parallel_loop3A_101 = arith.constant 1 : i32
    scf.for %parallel_loop3A_278 = %parallel_loop3A_99 to %parallel_loop3A_100 step %parallel_loop3A_101  : i32 {
      %parallel_loop3A_279 = arith.constant 8 : i32
      %parallel_loop3A_280 = arith.divsi %parallel_loop3A_278, %parallel_loop3A_279 : i32
      %parallel_loop3A_281 = arith.constant 0 : i32
      %parallel_loop3A_282 = arith.cmpi sgt, %parallel_loop3A_278, %parallel_loop3A_281 : i32
      %parallel_loop3A_283 = arith.extui %parallel_loop3A_282 : i1 to i32
      %parallel_loop3A_284 = arith.constant 0 : i32
      %parallel_loop3A_285 = arith.cmpi slt, %parallel_loop3A_278, %parallel_loop3A_284 : i32
      %parallel_loop3A_286 = arith.extui %parallel_loop3A_285 : i1 to i32
      %parallel_loop3A_287 = arith.subi %parallel_loop3A_283, %parallel_loop3A_286 : i32
      %parallel_loop3A_288 = arith.constant 0 : i32
      %parallel_loop3A_289 = arith.cmpi sgt, %parallel_loop3A_279, %parallel_loop3A_288 : i32
      %parallel_loop3A_290 = arith.extui %parallel_loop3A_289 : i1 to i32
      %parallel_loop3A_291 = arith.constant 0 : i32
      %parallel_loop3A_292 = arith.cmpi slt, %parallel_loop3A_279, %parallel_loop3A_291 : i32
      %parallel_loop3A_293 = arith.extui %parallel_loop3A_292 : i1 to i32
      %parallel_loop3A_294 = arith.subi %parallel_loop3A_290, %parallel_loop3A_293 : i32
      %parallel_loop3A_295 = arith.cmpi ne, %parallel_loop3A_287, %parallel_loop3A_294 : i32
      %parallel_loop3A_296 = arith.remsi %parallel_loop3A_278, %parallel_loop3A_279 : i32
      %parallel_loop3A_297 = arith.constant 0 : i32
      %parallel_loop3A_298 = arith.cmpi ne, %parallel_loop3A_296, %parallel_loop3A_297 : i32
      %parallel_loop3A_299 = arith.andi %parallel_loop3A_295, %parallel_loop3A_298 : i1
      %parallel_loop3A_300 = arith.constant 1 : i32
      %parallel_loop3A_301 = arith.subi %parallel_loop3A_280, %parallel_loop3A_300 : i32
      %parallel_loop3A_302 = arith.select %parallel_loop3A_299, %parallel_loop3A_301, %parallel_loop3A_280 : i32
      %parallel_loop3A_303 = arith.constant 8 : i32
      %parallel_loop3A_304 = arith.constant 0 : i32
      %parallel_loop3A_305 = arith.cmpi eq, %parallel_loop3A_303, %parallel_loop3A_304 : i32
      %parallel_loop3A_306 = arith.constant 1 : i32
      %parallel_loop3A_307 = arith.select %parallel_loop3A_305, %parallel_loop3A_306, %parallel_loop3A_303 : i32
      %parallel_loop3A_308 = arith.remsi %parallel_loop3A_278, %parallel_loop3A_307 : i32
      %parallel_loop3A_309 = arith.constant 0 : i32
      %parallel_loop3A_310 = arith.cmpi ne, %parallel_loop3A_308, %parallel_loop3A_309 : i32
      %parallel_loop3A_311 = arith.constant 0 : i32
      %parallel_loop3A_312 = arith.cmpi slt, %parallel_loop3A_308, %parallel_loop3A_311 : i32
      %parallel_loop3A_313 = arith.constant 0 : i32
      %parallel_loop3A_314 = arith.cmpi slt, %parallel_loop3A_307, %parallel_loop3A_313 : i32
      %parallel_loop3A_315 = arith.xori %parallel_loop3A_312, %parallel_loop3A_314 : i1
      %parallel_loop3A_316 = arith.andi %parallel_loop3A_315, %parallel_loop3A_310 : i1
      %parallel_loop3A_317 = arith.addi %parallel_loop3A_308, %parallel_loop3A_307 : i32
      %parallel_loop3A_318 = arith.select %parallel_loop3A_316, %parallel_loop3A_317, %parallel_loop3A_308 : i32
      %parallel_loop3A_319 = arith.constant 16 : i32
      %parallel_loop3A_320 = arith.muli %parallel_loop3A_318, %parallel_loop3A_319 : i32
      %parallel_loop3A_321 = arith.index_cast %parallel_loop3A_302 : i32 to index
      %parallel_loop3A_322 = arith.index_cast %parallel_loop3A_320 : i32 to index
      %parallel_loop3A_323 = tpu.vector_load %arg5[%parallel_loop3A_321, %parallel_loop3A_322] {strides = array<i32>} : memref<125x128xi32, #tpu.memory_space<vmem>>, vector<16xi32>,
      %parallel_loop3A_324 = arith.constant 16 : i32
      %parallel_loop3A_325 = arith.muli %parallel_loop3A_318, %parallel_loop3A_324 : i32
      %parallel_loop3A_326 = arith.index_cast %parallel_loop3A_302 : i32 to index
      %parallel_loop3A_327 = arith.index_cast %parallel_loop3A_325 : i32 to index
      %parallel_loop3A_328 = tpu.vector_load %arg7[%parallel_loop3A_326, %parallel_loop3A_327] {strides = array<i32>} : memref<125x128xf32, #tpu.memory_space<vmem>>, vector<16xf32>,
      tpu.vector_store_idx %arg9[%parallel_loop3A_323], %parallel_loop3A_328 {add = true} : memref<10240xf32, #tpu.memory_space<vmem>>[vector<16xi32>], vector<16xf32>,
    } {sc.loop_unroll_factor = 16 : i64, sc.parallel_access}
    %mul3A_102 = arith.constant 625 : i32
    %mul3A_103 = arith.muli %arg0, %mul3A_102 : i32
    %add3A_104 = arith.constant 250 : i32
    %add3A_105 = arith.addi %mul3A_103, %add3A_104 : i32
    %dma_start3A_106 = arith.constant 0 : i32
    %dma_start3A_107 = arith.constant 0 : i32
    %dma_start3A_108 = arith.constant 0 : i32
    %dma_start3A_109 = arith.constant 0 : i32
    %dma_start3A_110 = tpu.memref_slice %arg2[%add3A_105, %dma_start3A_106, %dma_start3A_109] : memref<1250x2x128xi32, #tpu.memory_space<hbm>> -> memref<125x1x128xi32, #tpu.memory_space<hbm>>
    %dma_start3A_111 = tpu.memref_squeeze %dma_start3A_110 : memref<125x1x128xi32, #tpu.memory_space<hbm>> -> memref<125x128xi32, #tpu.memory_space<hbm>>
    %dma_start3A_112 = tpu.memref_slice %arg10[%dma_start3A_107, %dma_start3A_108] : memref<2x2x!tpu.dma_semaphore, #tpu.memory_space<semaphore_mem>> -> memref<1x1x!tpu.dma_semaphore, #tpu.memory_space<semaphore_mem>>
    %dma_start3A_113 = tpu.memref_squeeze %dma_start3A_112 : memref<1x1x!tpu.dma_semaphore, #tpu.memory_space<semaphore_mem>> -> memref<!tpu.dma_semaphore, #tpu.memory_space<semaphore_mem>>
    %dma_start3A_114 = arith.constant 0 : i32
    %dma_start3A_115 = tpu.memref_slice %arg2[%add3A_105, %dma_start3A_106, %dma_start3A_114] : memref<1250x2x128xi32, #tpu.memory_space<hbm>> -> memref<125x1x128xi32, #tpu.memory_space<hbm>>
    %dma_start3A_116 = tpu.memref_squeeze %dma_start3A_115 : memref<125x1x128xi32, #tpu.memory_space<hbm>> -> memref<125x128xi32, #tpu.memory_space<hbm>>
    tpu.enqueue_dma source(%dma_start3A_116 : memref<125x128xi32, #tpu.memory_space<hbm>>) target(%arg5 : memref<125x128xi32, #tpu.memory_space<vmem>>) target_semaphore(%dma_start3A_113 : memref<!tpu.dma_semaphore, #tpu.memory_space<semaphore_mem>>)
    %dma_start3A_117 = arith.constant 0 : i32
    %dma_start3A_118 = arith.constant 1 : i32
    %dma_start3A_119 = arith.constant 0 : i32
    %dma_start3A_120 = tpu.memref_slice %arg3[%select_n3A, %add3A_105, %select_n3A_28, %dma_start3A_119] : memref<2x1250x8x128xf32, #tpu.memory_space<hbm>> -> memref<1x125x1x128xf32, #tpu.memory_space<hbm>>
    %dma_start3A_121 = tpu.memref_squeeze %dma_start3A_120 : memref<1x125x1x128xf32, #tpu.memory_space<hbm>> -> memref<125x128xf32, #tpu.memory_space<hbm>>
    %dma_start3A_122 = tpu.memref_slice %arg10[%dma_start3A_117, %dma_start3A_118] : memref<2x2x!tpu.dma_semaphore, #tpu.memory_space<semaphore_mem>> -> memref<1x1x!tpu.dma_semaphore, #tpu.memory_space<semaphore_mem>>
    %dma_start3A_123 = tpu.memref_squeeze %dma_start3A_122 : memref<1x1x!tpu.dma_semaphore, #tpu.memory_space<semaphore_mem>> -> memref<!tpu.dma_semaphore, #tpu.memory_space<semaphore_mem>>
    %dma_start3A_124 = arith.constant 0 : i32
    %dma_start3A_125 = tpu.memref_slice %arg3[%select_n3A, %add3A_105, %select_n3A_28, %dma_start3A_124] : memref<2x1250x8x128xf32, #tpu.memory_space<hbm>> -> memref<1x125x1x128xf32, #tpu.memory_space<hbm>>
    %dma_start3A_126 = tpu.memref_squeeze %dma_start3A_125 : memref<1x125x1x128xf32, #tpu.memory_space<hbm>> -> memref<125x128xf32, #tpu.memory_space<hbm>>
    tpu.enqueue_dma source(%dma_start3A_126 : memref<125x128xf32, #tpu.memory_space<hbm>>) target(%arg7 : memref<125x128xf32, #tpu.memory_space<vmem>>) target_semaphore(%dma_start3A_123 : memref<!tpu.dma_semaphore, #tpu.memory_space<semaphore_mem>>)
    %dma_wait3A_127 = arith.constant 0 : i32
    %dma_wait3A_128 = arith.constant 1 : i32
    %dma_wait3A_129 = arith.constant 0 : i32
    %dma_wait3A_130 = arith.constant 0 : i32
    %dma_wait3A_131 = tpu.memref_slice %arg2[%add3A_57, %dma_wait3A_127, %dma_wait3A_130] : memref<1250x2x128xi32, #tpu.memory_space<hbm>> -> memref<125x1x128xi32, #tpu.memory_space<hbm>>
    %dma_wait3A_132 = tpu.memref_squeeze %dma_wait3A_131 : memref<125x1x128xi32, #tpu.memory_space<hbm>> -> memref<125x128xi32, #tpu.memory_space<hbm>>
    %dma_wait3A_133 = tpu.memref_slice %arg10[%dma_wait3A_128, %dma_wait3A_129] : memref<2x2x!tpu.dma_semaphore, #tpu.memory_space<semaphore_mem>> -> memref<1x1x!tpu.dma_semaphore, #tpu.memory_space<semaphore_mem>>
    %dma_wait3A_134 = tpu.memref_squeeze %dma_wait3A_133 : memref<1x1x!tpu.dma_semaphore, #tpu.memory_space<semaphore_mem>> -> memref<!tpu.dma_semaphore, #tpu.memory_space<semaphore_mem>>
    %dma_wait3A_135 = arith.constant 0 : i32
    %dma_wait3A_136 = tpu.memref_slice %arg2[%add3A_57, %dma_wait3A_127, %dma_wait3A_135] : memref<1250x2x128xi32, #tpu.memory_space<hbm>> -> memref<125x1x128xi32, #tpu.memory_space<hbm>>
    %dma_wait3A_137 = tpu.memref_squeeze %dma_wait3A_136 : memref<125x1x128xi32, #tpu.memory_space<hbm>> -> memref<125x128xi32, #tpu.memory_space<hbm>>
    tpu.wait_dma2 semaphore(%dma_wait3A_134 : memref<!tpu.dma_semaphore, #tpu.memory_space<semaphore_mem>>) src(%dma_wait3A_137 : memref<125x128xi32, #tpu.memory_space<hbm>>) dst(%arg6 : memref<125x128xi32, #tpu.memory_space<vmem>>)
    %dma_wait3A_138 = arith.constant 1 : i32
    %dma_wait3A_139 = arith.constant 1 : i32
    %dma_wait3A_140 = arith.constant 0 : i32
    %dma_wait3A_141 = tpu.memref_slice %arg3[%select_n3A, %add3A_57, %select_n3A_28, %dma_wait3A_140] : memref<2x1250x8x128xf32, #tpu.memory_space<hbm>> -> memref<1x125x1x128xf32, #tpu.memory_space<hbm>>
    %dma_wait3A_142 = tpu.memref_squeeze %dma_wait3A_141 : memref<1x125x1x128xf32, #tpu.memory_space<hbm>> -> memref<125x128xf32, #tpu.memory_space<hbm>>
    %dma_wait3A_143 = tpu.memref_slice %arg10[%dma_wait3A_138, %dma_wait3A_139] : memref<2x2x!tpu.dma_semaphore, #tpu.memory_space<semaphore_mem>> -> memref<1x1x!tpu.dma_semaphore, #tpu.memory_space<semaphore_mem>>
    %dma_wait3A_144 = tpu.memref_squeeze %dma_wait3A_143 : memref<1x1x!tpu.dma_semaphore, #tpu.memory_space<semaphore_mem>> -> memref<!tpu.dma_semaphore, #tpu.memory_space<semaphore_mem>>
    %dma_wait3A_145 = arith.constant 0 : i32
    %dma_wait3A_146 = tpu.memref_slice %arg3[%select_n3A, %add3A_57, %select_n3A_28, %dma_wait3A_145] : memref<2x1250x8x128xf32, #tpu.memory_space<hbm>> -> memref<1x125x1x128xf32, #tpu.memory_space<hbm>>
    %dma_wait3A_147 = tpu.memref_squeeze %dma_wait3A_146 : memref<1x125x1x128xf32, #tpu.memory_space<hbm>> -> memref<125x128xf32, #tpu.memory_space<hbm>>
    tpu.wait_dma2 semaphore(%dma_wait3A_144 : memref<!tpu.dma_semaphore, #tpu.memory_space<semaphore_mem>>) src(%dma_wait3A_147 : memref<125x128xf32, #tpu.memory_space<hbm>>) dst(%arg8 : memref<125x128xf32, #tpu.memory_space<vmem>>)
    %parallel_loop3A_148 = arith.constant 0 : i32
    %parallel_loop3A_149 = arith.constant 1000 : i32
    %parallel_loop3A_150 = arith.constant 1 : i32
    scf.for %parallel_loop3A_278 = %parallel_loop3A_148 to %parallel_loop3A_149 step %parallel_loop3A_150  : i32 {
      %parallel_loop3A_279 = arith.constant 8 : i32
      %parallel_loop3A_280 = arith.divsi %parallel_loop3A_278, %parallel_loop3A_279 : i32
      %parallel_loop3A_281 = arith.constant 0 : i32
      %parallel_loop3A_282 = arith.cmpi sgt, %parallel_loop3A_278, %parallel_loop3A_281 : i32
      %parallel_loop3A_283 = arith.extui %parallel_loop3A_282 : i1 to i32
      %parallel_loop3A_284 = arith.constant 0 : i32
      %parallel_loop3A_285 = arith.cmpi slt, %parallel_loop3A_278, %parallel_loop3A_284 : i32
      %parallel_loop3A_286 = arith.extui %parallel_loop3A_285 : i1 to i32
      %parallel_loop3A_287 = arith.subi %parallel_loop3A_283, %parallel_loop3A_286 : i32
      %parallel_loop3A_288 = arith.constant 0 : i32
      %parallel_loop3A_289 = arith.cmpi sgt, %parallel_loop3A_279, %parallel_loop3A_288 : i32
      %parallel_loop3A_290 = arith.extui %parallel_loop3A_289 : i1 to i32
      %parallel_loop3A_291 = arith.constant 0 : i32
      %parallel_loop3A_292 = arith.cmpi slt, %parallel_loop3A_279, %parallel_loop3A_291 : i32
      %parallel_loop3A_293 = arith.extui %parallel_loop3A_292 : i1 to i32
      %parallel_loop3A_294 = arith.subi %parallel_loop3A_290, %parallel_loop3A_293 : i32
      %parallel_loop3A_295 = arith.cmpi ne, %parallel_loop3A_287, %parallel_loop3A_294 : i32
      %parallel_loop3A_296 = arith.remsi %parallel_loop3A_278, %parallel_loop3A_279 : i32
      %parallel_loop3A_297 = arith.constant 0 : i32
      %parallel_loop3A_298 = arith.cmpi ne, %parallel_loop3A_296, %parallel_loop3A_297 : i32
      %parallel_loop3A_299 = arith.andi %parallel_loop3A_295, %parallel_loop3A_298 : i1
      %parallel_loop3A_300 = arith.constant 1 : i32
      %parallel_loop3A_301 = arith.subi %parallel_loop3A_280, %parallel_loop3A_300 : i32
      %parallel_loop3A_302 = arith.select %parallel_loop3A_299, %parallel_loop3A_301, %parallel_loop3A_280 : i32
      %parallel_loop3A_303 = arith.constant 8 : i32
      %parallel_loop3A_304 = arith.constant 0 : i32
      %parallel_loop3A_305 = arith.cmpi eq, %parallel_loop3A_303, %parallel_loop3A_304 : i32
      %parallel_loop3A_306 = arith.constant 1 : i32
      %parallel_loop3A_307 = arith.select %parallel_loop3A_305, %parallel_loop3A_306, %parallel_loop3A_303 : i32
      %parallel_loop3A_308 = arith.remsi %parallel_loop3A_278, %parallel_loop3A_307 : i32
      %parallel_loop3A_309 = arith.constant 0 : i32
      %parallel_loop3A_310 = arith.cmpi ne, %parallel_loop3A_308, %parallel_loop3A_309 : i32
      %parallel_loop3A_311 = arith.constant 0 : i32
      %parallel_loop3A_312 = arith.cmpi slt, %parallel_loop3A_308, %parallel_loop3A_311 : i32
      %parallel_loop3A_313 = arith.constant 0 : i32
      %parallel_loop3A_314 = arith.cmpi slt, %parallel_loop3A_307, %parallel_loop3A_313 : i32
      %parallel_loop3A_315 = arith.xori %parallel_loop3A_312, %parallel_loop3A_314 : i1
      %parallel_loop3A_316 = arith.andi %parallel_loop3A_315, %parallel_loop3A_310 : i1
      %parallel_loop3A_317 = arith.addi %parallel_loop3A_308, %parallel_loop3A_307 : i32
      %parallel_loop3A_318 = arith.select %parallel_loop3A_316, %parallel_loop3A_317, %parallel_loop3A_308 : i32
      %parallel_loop3A_319 = arith.constant 16 : i32
      %parallel_loop3A_320 = arith.muli %parallel_loop3A_318, %parallel_loop3A_319 : i32
      %parallel_loop3A_321 = arith.index_cast %parallel_loop3A_302 : i32 to index
      %parallel_loop3A_322 = arith.index_cast %parallel_loop3A_320 : i32 to index
      %parallel_loop3A_323 = tpu.vector_load %arg6[%parallel_loop3A_321, %parallel_loop3A_322] {strides = array<i32>} : memref<125x128xi32, #tpu.memory_space<vmem>>, vector<16xi32>,
      %parallel_loop3A_324 = arith.constant 16 : i32
      %parallel_loop3A_325 = arith.muli %parallel_loop3A_318, %parallel_loop3A_324 : i32
      %parallel_loop3A_326 = arith.index_cast %parallel_loop3A_302 : i32 to index
      %parallel_loop3A_327 = arith.index_cast %parallel_loop3A_325 : i32 to index
      %parallel_loop3A_328 = tpu.vector_load %arg8[%parallel_loop3A_326, %parallel_loop3A_327] {strides = array<i32>} : memref<125x128xf32, #tpu.memory_space<vmem>>, vector<16xf32>,
      tpu.vector_store_idx %arg9[%parallel_loop3A_323], %parallel_loop3A_328 {add = true} : memref<10240xf32, #tpu.memory_space<vmem>>[vector<16xi32>], vector<16xf32>,
    } {sc.loop_unroll_factor = 16 : i64, sc.parallel_access}
    %mul3A_151 = arith.constant 625 : i32
    %mul3A_152 = arith.muli %arg0, %mul3A_151 : i32
    %add3A_153 = arith.constant 375 : i32
    %add3A_154 = arith.addi %mul3A_152, %add3A_153 : i32
    %dma_start3A_155 = arith.constant 0 : i32
    %dma_start3A_156 = arith.constant 1 : i32
    %dma_start3A_157 = arith.constant 0 : i32
    %dma_start3A_158 = arith.constant 0 : i32
    %dma_start3A_159 = tpu.memref_slice %arg2[%add3A_154, %dma_start3A_155, %dma_start3A_158] : memref<1250x2x128xi32, #tpu.memory_space<hbm>> -> memref<125x1x128xi32, #tpu.memory_space<hbm>>
    %dma_start3A_160 = tpu.memref_squeeze %dma_start3A_159 : memref<125x1x128xi32, #tpu.memory_space<hbm>> -> memref<125x128xi32, #tpu.memory_space<hbm>>
    %dma_start3A_161 = tpu.memref_slice %arg10[%dma_start3A_156, %dma_start3A_157] : memref<2x2x!tpu.dma_semaphore, #tpu.memory_space<semaphore_mem>> -> memref<1x1x!tpu.dma_semaphore, #tpu.memory_space<semaphore_mem>>
    %dma_start3A_162 = tpu.memref_squeeze %dma_start3A_161 : memref<1x1x!tpu.dma_semaphore, #tpu.memory_space<semaphore_mem>> -> memref<!tpu.dma_semaphore, #tpu.memory_space<semaphore_mem>>
    %dma_start3A_163 = arith.constant 0 : i32
    %dma_start3A_164 = tpu.memref_slice %arg2[%add3A_154, %dma_start3A_155, %dma_start3A_163] : memref<1250x2x128xi32, #tpu.memory_space<hbm>> -> memref<125x1x128xi32, #tpu.memory_space<hbm>>
    %dma_start3A_165 = tpu.memref_squeeze %dma_start3A_164 : memref<125x1x128xi32, #tpu.memory_space<hbm>> -> memref<125x128xi32, #tpu.memory_space<hbm>>
    tpu.enqueue_dma source(%dma_start3A_165 : memref<125x128xi32, #tpu.memory_space<hbm>>) target(%arg6 : memref<125x128xi32, #tpu.memory_space<vmem>>) target_semaphore(%dma_start3A_162 : memref<!tpu.dma_semaphore, #tpu.memory_space<semaphore_mem>>)
    %dma_start3A_166 = arith.constant 1 : i32
    %dma_start3A_167 = arith.constant 1 : i32
    %dma_start3A_168 = arith.constant 0 : i32
    %dma_start3A_169 = tpu.memref_slice %arg3[%select_n3A, %add3A_154, %select_n3A_28, %dma_start3A_168] : memref<2x1250x8x128xf32, #tpu.memory_space<hbm>> -> memref<1x125x1x128xf32, #tpu.memory_space<hbm>>
    %dma_start3A_170 = tpu.memref_squeeze %dma_start3A_169 : memref<1x125x1x128xf32, #tpu.memory_space<hbm>> -> memref<125x128xf32, #tpu.memory_space<hbm>>
    %dma_start3A_171 = tpu.memref_slice %arg10[%dma_start3A_166, %dma_start3A_167] : memref<2x2x!tpu.dma_semaphore, #tpu.memory_space<semaphore_mem>> -> memref<1x1x!tpu.dma_semaphore, #tpu.memory_space<semaphore_mem>>
    %dma_start3A_172 = tpu.memref_squeeze %dma_start3A_171 : memref<1x1x!tpu.dma_semaphore, #tpu.memory_space<semaphore_mem>> -> memref<!tpu.dma_semaphore, #tpu.memory_space<semaphore_mem>>
    %dma_start3A_173 = arith.constant 0 : i32
    %dma_start3A_174 = tpu.memref_slice %arg3[%select_n3A, %add3A_154, %select_n3A_28, %dma_start3A_173] : memref<2x1250x8x128xf32, #tpu.memory_space<hbm>> -> memref<1x125x1x128xf32, #tpu.memory_space<hbm>>
    %dma_start3A_175 = tpu.memref_squeeze %dma_start3A_174 : memref<1x125x1x128xf32, #tpu.memory_space<hbm>> -> memref<125x128xf32, #tpu.memory_space<hbm>>
    tpu.enqueue_dma source(%dma_start3A_175 : memref<125x128xf32, #tpu.memory_space<hbm>>) target(%arg8 : memref<125x128xf32, #tpu.memory_space<vmem>>) target_semaphore(%dma_start3A_172 : memref<!tpu.dma_semaphore, #tpu.memory_space<semaphore_mem>>)
    %dma_wait3A_176 = arith.constant 0 : i32
    %dma_wait3A_177 = arith.constant 0 : i32
    %dma_wait3A_178 = arith.constant 0 : i32
    %dma_wait3A_179 = arith.constant 0 : i32
    %dma_wait3A_180 = tpu.memref_slice %arg2[%add3A_105, %dma_wait3A_176, %dma_wait3A_179] : memref<1250x2x128xi32, #tpu.memory_space<hbm>> -> memref<125x1x128xi32, #tpu.memory_space<hbm>>
    %dma_wait3A_181 = tpu.memref_squeeze %dma_wait3A_180 : memref<125x1x128xi32, #tpu.memory_space<hbm>> -> memref<125x128xi32, #tpu.memory_space<hbm>>
    %dma_wait3A_182 = tpu.memref_slice %arg10[%dma_wait3A_177, %dma_wait3A_178] : memref<2x2x!tpu.dma_semaphore, #tpu.memory_space<semaphore_mem>> -> memref<1x1x!tpu.dma_semaphore, #tpu.memory_space<semaphore_mem>>
    %dma_wait3A_183 = tpu.memref_squeeze %dma_wait3A_182 : memref<1x1x!tpu.dma_semaphore, #tpu.memory_space<semaphore_mem>> -> memref<!tpu.dma_semaphore, #tpu.memory_space<semaphore_mem>>
    %dma_wait3A_184 = arith.constant 0 : i32
    %dma_wait3A_185 = tpu.memref_slice %arg2[%add3A_105, %dma_wait3A_176, %dma_wait3A_184] : memref<1250x2x128xi32, #tpu.memory_space<hbm>> -> memref<125x1x128xi32, #tpu.memory_space<hbm>>
    %dma_wait3A_186 = tpu.memref_squeeze %dma_wait3A_185 : memref<125x1x128xi32, #tpu.memory_space<hbm>> -> memref<125x128xi32, #tpu.memory_space<hbm>>
    tpu.wait_dma2 semaphore(%dma_wait3A_183 : memref<!tpu.dma_semaphore, #tpu.memory_space<semaphore_mem>>) src(%dma_wait3A_186 : memref<125x128xi32, #tpu.memory_space<hbm>>) dst(%arg5 : memref<125x128xi32, #tpu.memory_space<vmem>>)
    %dma_wait3A_187 = arith.constant 0 : i32
    %dma_wait3A_188 = arith.constant 1 : i32
    %dma_wait3A_189 = arith.constant 0 : i32
    %dma_wait3A_190 = tpu.memref_slice %arg3[%select_n3A, %add3A_105, %select_n3A_28, %dma_wait3A_189] : memref<2x1250x8x128xf32, #tpu.memory_space<hbm>> -> memref<1x125x1x128xf32, #tpu.memory_space<hbm>>
    %dma_wait3A_191 = tpu.memref_squeeze %dma_wait3A_190 : memref<1x125x1x128xf32, #tpu.memory_space<hbm>> -> memref<125x128xf32, #tpu.memory_space<hbm>>
    %dma_wait3A_192 = tpu.memref_slice %arg10[%dma_wait3A_187, %dma_wait3A_188] : memref<2x2x!tpu.dma_semaphore, #tpu.memory_space<semaphore_mem>> -> memref<1x1x!tpu.dma_semaphore, #tpu.memory_space<semaphore_mem>>
    %dma_wait3A_193 = tpu.memref_squeeze %dma_wait3A_192 : memref<1x1x!tpu.dma_semaphore, #tpu.memory_space<semaphore_mem>> -> memref<!tpu.dma_semaphore, #tpu.memory_space<semaphore_mem>>
    %dma_wait3A_194 = arith.constant 0 : i32
    %dma_wait3A_195 = tpu.memref_slice %arg3[%select_n3A, %add3A_105, %select_n3A_28, %dma_wait3A_194] : memref<2x1250x8x128xf32, #tpu.memory_space<hbm>> -> memref<1x125x1x128xf32, #tpu.memory_space<hbm>>
    %dma_wait3A_196 = tpu.memref_squeeze %dma_wait3A_195 : memref<1x125x1x128xf32, #tpu.memory_space<hbm>> -> memref<125x128xf32, #tpu.memory_space<hbm>>
    tpu.wait_dma2 semaphore(%dma_wait3A_193 : memref<!tpu.dma_semaphore, #tpu.memory_space<semaphore_mem>>) src(%dma_wait3A_196 : memref<125x128xf32, #tpu.memory_space<hbm>>) dst(%arg7 : memref<125x128xf32, #tpu.memory_space<vmem>>)
    %parallel_loop3A_197 = arith.constant 0 : i32
    %parallel_loop3A_198 = arith.constant 1000 : i32
    %parallel_loop3A_199 = arith.constant 1 : i32
    scf.for %parallel_loop3A_278 = %parallel_loop3A_197 to %parallel_loop3A_198 step %parallel_loop3A_199  : i32 {
      %parallel_loop3A_279 = arith.constant 8 : i32
      %parallel_loop3A_280 = arith.divsi %parallel_loop3A_278, %parallel_loop3A_279 : i32
      %parallel_loop3A_281 = arith.constant 0 : i32
      %parallel_loop3A_282 = arith.cmpi sgt, %parallel_loop3A_278, %parallel_loop3A_281 : i32
      %parallel_loop3A_283 = arith.extui %parallel_loop3A_282 : i1 to i32
      %parallel_loop3A_284 = arith.constant 0 : i32
      %parallel_loop3A_285 = arith.cmpi slt, %parallel_loop3A_278, %parallel_loop3A_284 : i32
      %parallel_loop3A_286 = arith.extui %parallel_loop3A_285 : i1 to i32
      %parallel_loop3A_287 = arith.subi %parallel_loop3A_283, %parallel_loop3A_286 : i32
      %parallel_loop3A_288 = arith.constant 0 : i32
      %parallel_loop3A_289 = arith.cmpi sgt, %parallel_loop3A_279, %parallel_loop3A_288 : i32
      %parallel_loop3A_290 = arith.extui %parallel_loop3A_289 : i1 to i32
      %parallel_loop3A_291 = arith.constant 0 : i32
      %parallel_loop3A_292 = arith.cmpi slt, %parallel_loop3A_279, %parallel_loop3A_291 : i32
      %parallel_loop3A_293 = arith.extui %parallel_loop3A_292 : i1 to i32
      %parallel_loop3A_294 = arith.subi %parallel_loop3A_290, %parallel_loop3A_293 : i32
      %parallel_loop3A_295 = arith.cmpi ne, %parallel_loop3A_287, %parallel_loop3A_294 : i32
      %parallel_loop3A_296 = arith.remsi %parallel_loop3A_278, %parallel_loop3A_279 : i32
      %parallel_loop3A_297 = arith.constant 0 : i32
      %parallel_loop3A_298 = arith.cmpi ne, %parallel_loop3A_296, %parallel_loop3A_297 : i32
      %parallel_loop3A_299 = arith.andi %parallel_loop3A_295, %parallel_loop3A_298 : i1
      %parallel_loop3A_300 = arith.constant 1 : i32
      %parallel_loop3A_301 = arith.subi %parallel_loop3A_280, %parallel_loop3A_300 : i32
      %parallel_loop3A_302 = arith.select %parallel_loop3A_299, %parallel_loop3A_301, %parallel_loop3A_280 : i32
      %parallel_loop3A_303 = arith.constant 8 : i32
      %parallel_loop3A_304 = arith.constant 0 : i32
      %parallel_loop3A_305 = arith.cmpi eq, %parallel_loop3A_303, %parallel_loop3A_304 : i32
      %parallel_loop3A_306 = arith.constant 1 : i32
      %parallel_loop3A_307 = arith.select %parallel_loop3A_305, %parallel_loop3A_306, %parallel_loop3A_303 : i32
      %parallel_loop3A_308 = arith.remsi %parallel_loop3A_278, %parallel_loop3A_307 : i32
      %parallel_loop3A_309 = arith.constant 0 : i32
      %parallel_loop3A_310 = arith.cmpi ne, %parallel_loop3A_308, %parallel_loop3A_309 : i32
      %parallel_loop3A_311 = arith.constant 0 : i32
      %parallel_loop3A_312 = arith.cmpi slt, %parallel_loop3A_308, %parallel_loop3A_311 : i32
      %parallel_loop3A_313 = arith.constant 0 : i32
      %parallel_loop3A_314 = arith.cmpi slt, %parallel_loop3A_307, %parallel_loop3A_313 : i32
      %parallel_loop3A_315 = arith.xori %parallel_loop3A_312, %parallel_loop3A_314 : i1
      %parallel_loop3A_316 = arith.andi %parallel_loop3A_315, %parallel_loop3A_310 : i1
      %parallel_loop3A_317 = arith.addi %parallel_loop3A_308, %parallel_loop3A_307 : i32
      %parallel_loop3A_318 = arith.select %parallel_loop3A_316, %parallel_loop3A_317, %parallel_loop3A_308 : i32
      %parallel_loop3A_319 = arith.constant 16 : i32
      %parallel_loop3A_320 = arith.muli %parallel_loop3A_318, %parallel_loop3A_319 : i32
      %parallel_loop3A_321 = arith.index_cast %parallel_loop3A_302 : i32 to index
      %parallel_loop3A_322 = arith.index_cast %parallel_loop3A_320 : i32 to index
      %parallel_loop3A_323 = tpu.vector_load %arg5[%parallel_loop3A_321, %parallel_loop3A_322] {strides = array<i32>} : memref<125x128xi32, #tpu.memory_space<vmem>>, vector<16xi32>,
      %parallel_loop3A_324 = arith.constant 16 : i32
      %parallel_loop3A_325 = arith.muli %parallel_loop3A_318, %parallel_loop3A_324 : i32
      %parallel_loop3A_326 = arith.index_cast %parallel_loop3A_302 : i32 to index
      %parallel_loop3A_327 = arith.index_cast %parallel_loop3A_325 : i32 to index
      %parallel_loop3A_328 = tpu.vector_load %arg7[%parallel_loop3A_326, %parallel_loop3A_327] {strides = array<i32>} : memref<125x128xf32, #tpu.memory_space<vmem>>, vector<16xf32>,
      tpu.vector_store_idx %arg9[%parallel_loop3A_323], %parallel_loop3A_328 {add = true} : memref<10240xf32, #tpu.memory_space<vmem>>[vector<16xi32>], vector<16xf32>,
    } {sc.loop_unroll_factor = 16 : i64, sc.parallel_access}
    %mul3A_200 = arith.constant 625 : i32
    %mul3A_201 = arith.muli %arg0, %mul3A_200 : i32
    %add3A_202 = arith.constant 500 : i32
    %add3A_203 = arith.addi %mul3A_201, %add3A_202 : i32
    %dma_start3A_204 = arith.constant 0 : i32
    %dma_start3A_205 = arith.constant 0 : i32
    %dma_start3A_206 = arith.constant 0 : i32
    %dma_start3A_207 = arith.constant 0 : i32
    %dma_start3A_208 = tpu.memref_slice %arg2[%add3A_203, %dma_start3A_204, %dma_start3A_207] : memref<1250x2x128xi32, #tpu.memory_space<hbm>> -> memref<125x1x128xi32, #tpu.memory_space<hbm>>
    %dma_start3A_209 = tpu.memref_squeeze %dma_start3A_208 : memref<125x1x128xi32, #tpu.memory_space<hbm>> -> memref<125x128xi32, #tpu.memory_space<hbm>>
    %dma_start3A_210 = tpu.memref_slice %arg10[%dma_start3A_205, %dma_start3A_206] : memref<2x2x!tpu.dma_semaphore, #tpu.memory_space<semaphore_mem>> -> memref<1x1x!tpu.dma_semaphore, #tpu.memory_space<semaphore_mem>>
    %dma_start3A_211 = tpu.memref_squeeze %dma_start3A_210 : memref<1x1x!tpu.dma_semaphore, #tpu.memory_space<semaphore_mem>> -> memref<!tpu.dma_semaphore, #tpu.memory_space<semaphore_mem>>
    %dma_start3A_212 = arith.constant 0 : i32
    %dma_start3A_213 = tpu.memref_slice %arg2[%add3A_203, %dma_start3A_204, %dma_start3A_212] : memref<1250x2x128xi32, #tpu.memory_space<hbm>> -> memref<125x1x128xi32, #tpu.memory_space<hbm>>
    %dma_start3A_214 = tpu.memref_squeeze %dma_start3A_213 : memref<125x1x128xi32, #tpu.memory_space<hbm>> -> memref<125x128xi32, #tpu.memory_space<hbm>>
    tpu.enqueue_dma source(%dma_start3A_214 : memref<125x128xi32, #tpu.memory_space<hbm>>) target(%arg5 : memref<125x128xi32, #tpu.memory_space<vmem>>) target_semaphore(%dma_start3A_211 : memref<!tpu.dma_semaphore, #tpu.memory_space<semaphore_mem>>)
    %dma_start3A_215 = arith.constant 0 : i32
    %dma_start3A_216 = arith.constant 1 : i32
    %dma_start3A_217 = arith.constant 0 : i32
    %dma_start3A_218 = tpu.memref_slice %arg3[%select_n3A, %add3A_203, %select_n3A_28, %dma_start3A_217] : memref<2x1250x8x128xf32, #tpu.memory_space<hbm>> -> memref<1x125x1x128xf32, #tpu.memory_space<hbm>>
    %dma_start3A_219 = tpu.memref_squeeze %dma_start3A_218 : memref<1x125x1x128xf32, #tpu.memory_space<hbm>> -> memref<125x128xf32, #tpu.memory_space<hbm>>
    %dma_start3A_220 = tpu.memref_slice %arg10[%dma_start3A_215, %dma_start3A_216] : memref<2x2x!tpu.dma_semaphore, #tpu.memory_space<semaphore_mem>> -> memref<1x1x!tpu.dma_semaphore, #tpu.memory_space<semaphore_mem>>
    %dma_start3A_221 = tpu.memref_squeeze %dma_start3A_220 : memref<1x1x!tpu.dma_semaphore, #tpu.memory_space<semaphore_mem>> -> memref<!tpu.dma_semaphore, #tpu.memory_space<semaphore_mem>>
    %dma_start3A_222 = arith.constant 0 : i32
    %dma_start3A_223 = tpu.memref_slice %arg3[%select_n3A, %add3A_203, %select_n3A_28, %dma_start3A_222] : memref<2x1250x8x128xf32, #tpu.memory_space<hbm>> -> memref<1x125x1x128xf32, #tpu.memory_space<hbm>>
    %dma_start3A_224 = tpu.memref_squeeze %dma_start3A_223 : memref<1x125x1x128xf32, #tpu.memory_space<hbm>> -> memref<125x128xf32, #tpu.memory_space<hbm>>
    tpu.enqueue_dma source(%dma_start3A_224 : memref<125x128xf32, #tpu.memory_space<hbm>>) target(%arg7 : memref<125x128xf32, #tpu.memory_space<vmem>>) target_semaphore(%dma_start3A_221 : memref<!tpu.dma_semaphore, #tpu.memory_space<semaphore_mem>>)
    %dma_wait3A_225 = arith.constant 0 : i32
    %dma_wait3A_226 = arith.constant 1 : i32
    %dma_wait3A_227 = arith.constant 0 : i32
    %dma_wait3A_228 = arith.constant 0 : i32
    %dma_wait3A_229 = tpu.memref_slice %arg2[%add3A_154, %dma_wait3A_225, %dma_wait3A_228] : memref<1250x2x128xi32, #tpu.memory_space<hbm>> -> memref<125x1x128xi32, #tpu.memory_space<hbm>>
    %dma_wait3A_230 = tpu.memref_squeeze %dma_wait3A_229 : memref<125x1x128xi32, #tpu.memory_space<hbm>> -> memref<125x128xi32, #tpu.memory_space<hbm>>
    %dma_wait3A_231 = tpu.memref_slice %arg10[%dma_wait3A_226, %dma_wait3A_227] : memref<2x2x!tpu.dma_semaphore, #tpu.memory_space<semaphore_mem>> -> memref<1x1x!tpu.dma_semaphore, #tpu.memory_space<semaphore_mem>>
    %dma_wait3A_232 = tpu.memref_squeeze %dma_wait3A_231 : memref<1x1x!tpu.dma_semaphore, #tpu.memory_space<semaphore_mem>> -> memref<!tpu.dma_semaphore, #tpu.memory_space<semaphore_mem>>
    %dma_wait3A_233 = arith.constant 0 : i32
    %dma_wait3A_234 = tpu.memref_slice %arg2[%add3A_154, %dma_wait3A_225, %dma_wait3A_233] : memref<1250x2x128xi32, #tpu.memory_space<hbm>> -> memref<125x1x128xi32, #tpu.memory_space<hbm>>
    %dma_wait3A_235 = tpu.memref_squeeze %dma_wait3A_234 : memref<125x1x128xi32, #tpu.memory_space<hbm>> -> memref<125x128xi32, #tpu.memory_space<hbm>>
    tpu.wait_dma2 semaphore(%dma_wait3A_232 : memref<!tpu.dma_semaphore, #tpu.memory_space<semaphore_mem>>) src(%dma_wait3A_235 : memref<125x128xi32, #tpu.memory_space<hbm>>) dst(%arg6 : memref<125x128xi32, #tpu.memory_space<vmem>>)
    %dma_wait3A_236 = arith.constant 1 : i32
    %dma_wait3A_237 = arith.constant 1 : i32
    %dma_wait3A_238 = arith.constant 0 : i32
    %dma_wait3A_239 = tpu.memref_slice %arg3[%select_n3A, %add3A_154, %select_n3A_28, %dma_wait3A_238] : memref<2x1250x8x128xf32, #tpu.memory_space<hbm>> -> memref<1x125x1x128xf32, #tpu.memory_space<hbm>>
    %dma_wait3A_240 = tpu.memref_squeeze %dma_wait3A_239 : memref<1x125x1x128xf32, #tpu.memory_space<hbm>> -> memref<125x128xf32, #tpu.memory_space<hbm>>
    %dma_wait3A_241 = tpu.memref_slice %arg10[%dma_wait3A_236, %dma_wait3A_237] : memref<2x2x!tpu.dma_semaphore, #tpu.memory_space<semaphore_mem>> -> memref<1x1x!tpu.dma_semaphore, #tpu.memory_space<semaphore_mem>>
    %dma_wait3A_242 = tpu.memref_squeeze %dma_wait3A_241 : memref<1x1x!tpu.dma_semaphore, #tpu.memory_space<semaphore_mem>> -> memref<!tpu.dma_semaphore, #tpu.memory_space<semaphore_mem>>
    %dma_wait3A_243 = arith.constant 0 : i32
    %dma_wait3A_244 = tpu.memref_slice %arg3[%select_n3A, %add3A_154, %select_n3A_28, %dma_wait3A_243] : memref<2x1250x8x128xf32, #tpu.memory_space<hbm>> -> memref<1x125x1x128xf32, #tpu.memory_space<hbm>>
    %dma_wait3A_245 = tpu.memref_squeeze %dma_wait3A_244 : memref<1x125x1x128xf32, #tpu.memory_space<hbm>> -> memref<125x128xf32, #tpu.memory_space<hbm>>
    tpu.wait_dma2 semaphore(%dma_wait3A_242 : memref<!tpu.dma_semaphore, #tpu.memory_space<semaphore_mem>>) src(%dma_wait3A_245 : memref<125x128xf32, #tpu.memory_space<hbm>>) dst(%arg8 : memref<125x128xf32, #tpu.memory_space<vmem>>)
    %parallel_loop3A_246 = arith.constant 0 : i32
    %parallel_loop3A_247 = arith.constant 1000 : i32
    %parallel_loop3A_248 = arith.constant 1 : i32
    scf.for %parallel_loop3A_278 = %parallel_loop3A_246 to %parallel_loop3A_247 step %parallel_loop3A_248  : i32 {
      %parallel_loop3A_279 = arith.constant 8 : i32
      %parallel_loop3A_280 = arith.divsi %parallel_loop3A_278, %parallel_loop3A_279 : i32
      %parallel_loop3A_281 = arith.constant 0 : i32
      %parallel_loop3A_282 = arith.cmpi sgt, %parallel_loop3A_278, %parallel_loop3A_281 : i32
      %parallel_loop3A_283 = arith.extui %parallel_loop3A_282 : i1 to i32
      %parallel_loop3A_284 = arith.constant 0 : i32
      %parallel_loop3A_285 = arith.cmpi slt, %parallel_loop3A_278, %parallel_loop3A_284 : i32
      %parallel_loop3A_286 = arith.extui %parallel_loop3A_285 : i1 to i32
      %parallel_loop3A_287 = arith.subi %parallel_loop3A_283, %parallel_loop3A_286 : i32
      %parallel_loop3A_288 = arith.constant 0 : i32
      %parallel_loop3A_289 = arith.cmpi sgt, %parallel_loop3A_279, %parallel_loop3A_288 : i32
      %parallel_loop3A_290 = arith.extui %parallel_loop3A_289 : i1 to i32
      %parallel_loop3A_291 = arith.constant 0 : i32
      %parallel_loop3A_292 = arith.cmpi slt, %parallel_loop3A_279, %parallel_loop3A_291 : i32
      %parallel_loop3A_293 = arith.extui %parallel_loop3A_292 : i1 to i32
      %parallel_loop3A_294 = arith.subi %parallel_loop3A_290, %parallel_loop3A_293 : i32
      %parallel_loop3A_295 = arith.cmpi ne, %parallel_loop3A_287, %parallel_loop3A_294 : i32
      %parallel_loop3A_296 = arith.remsi %parallel_loop3A_278, %parallel_loop3A_279 : i32
      %parallel_loop3A_297 = arith.constant 0 : i32
      %parallel_loop3A_298 = arith.cmpi ne, %parallel_loop3A_296, %parallel_loop3A_297 : i32
      %parallel_loop3A_299 = arith.andi %parallel_loop3A_295, %parallel_loop3A_298 : i1
      %parallel_loop3A_300 = arith.constant 1 : i32
      %parallel_loop3A_301 = arith.subi %parallel_loop3A_280, %parallel_loop3A_300 : i32
      %parallel_loop3A_302 = arith.select %parallel_loop3A_299, %parallel_loop3A_301, %parallel_loop3A_280 : i32
      %parallel_loop3A_303 = arith.constant 8 : i32
      %parallel_loop3A_304 = arith.constant 0 : i32
      %parallel_loop3A_305 = arith.cmpi eq, %parallel_loop3A_303, %parallel_loop3A_304 : i32
      %parallel_loop3A_306 = arith.constant 1 : i32
      %parallel_loop3A_307 = arith.select %parallel_loop3A_305, %parallel_loop3A_306, %parallel_loop3A_303 : i32
      %parallel_loop3A_308 = arith.remsi %parallel_loop3A_278, %parallel_loop3A_307 : i32
      %parallel_loop3A_309 = arith.constant 0 : i32
      %parallel_loop3A_310 = arith.cmpi ne, %parallel_loop3A_308, %parallel_loop3A_309 : i32
      %parallel_loop3A_311 = arith.constant 0 : i32
      %parallel_loop3A_312 = arith.cmpi slt, %parallel_loop3A_308, %parallel_loop3A_311 : i32
      %parallel_loop3A_313 = arith.constant 0 : i32
      %parallel_loop3A_314 = arith.cmpi slt, %parallel_loop3A_307, %parallel_loop3A_313 : i32
      %parallel_loop3A_315 = arith.xori %parallel_loop3A_312, %parallel_loop3A_314 : i1
      %parallel_loop3A_316 = arith.andi %parallel_loop3A_315, %parallel_loop3A_310 : i1
      %parallel_loop3A_317 = arith.addi %parallel_loop3A_308, %parallel_loop3A_307 : i32
      %parallel_loop3A_318 = arith.select %parallel_loop3A_316, %parallel_loop3A_317, %parallel_loop3A_308 : i32
      %parallel_loop3A_319 = arith.constant 16 : i32
      %parallel_loop3A_320 = arith.muli %parallel_loop3A_318, %parallel_loop3A_319 : i32
      %parallel_loop3A_321 = arith.index_cast %parallel_loop3A_302 : i32 to index
      %parallel_loop3A_322 = arith.index_cast %parallel_loop3A_320 : i32 to index
      %parallel_loop3A_323 = tpu.vector_load %arg6[%parallel_loop3A_321, %parallel_loop3A_322] {strides = array<i32>} : memref<125x128xi32, #tpu.memory_space<vmem>>, vector<16xi32>,
      %parallel_loop3A_324 = arith.constant 16 : i32
      %parallel_loop3A_325 = arith.muli %parallel_loop3A_318, %parallel_loop3A_324 : i32
      %parallel_loop3A_326 = arith.index_cast %parallel_loop3A_302 : i32 to index
      %parallel_loop3A_327 = arith.index_cast %parallel_loop3A_325 : i32 to index
      %parallel_loop3A_328 = tpu.vector_load %arg8[%parallel_loop3A_326, %parallel_loop3A_327] {strides = array<i32>} : memref<125x128xf32, #tpu.memory_space<vmem>>, vector<16xf32>,
      tpu.vector_store_idx %arg9[%parallel_loop3A_323], %parallel_loop3A_328 {add = true} : memref<10240xf32, #tpu.memory_space<vmem>>[vector<16xi32>], vector<16xf32>,
    } {sc.loop_unroll_factor = 16 : i64, sc.parallel_access}
    %dma_wait3A_249 = arith.constant 0 : i32
    %dma_wait3A_250 = arith.constant 0 : i32
    %dma_wait3A_251 = arith.constant 0 : i32
    %dma_wait3A_252 = arith.constant 0 : i32
    %dma_wait3A_253 = tpu.memref_slice %arg2[%add3A_203, %dma_wait3A_249, %dma_wait3A_252] : memref<1250x2x128xi32, #tpu.memory_space<hbm>> -> memref<125x1x128xi32, #tpu.memory_space<hbm>>
    %dma_wait3A_254 = tpu.memref_squeeze %dma_wait3A_253 : memref<125x1x128xi32, #tpu.memory_space<hbm>> -> memref<125x128xi32, #tpu.memory_space<hbm>>
    %dma_wait3A_255 = tpu.memref_slice %arg10[%dma_wait3A_250, %dma_wait3A_251] : memref<2x2x!tpu.dma_semaphore, #tpu.memory_space<semaphore_mem>> -> memref<1x1x!tpu.dma_semaphore, #tpu.memory_space<semaphore_mem>>
    %dma_wait3A_256 = tpu.memref_squeeze %dma_wait3A_255 : memref<1x1x!tpu.dma_semaphore, #tpu.memory_space<semaphore_mem>> -> memref<!tpu.dma_semaphore, #tpu.memory_space<semaphore_mem>>
    %dma_wait3A_257 = arith.constant 0 : i32
    %dma_wait3A_258 = tpu.memref_slice %arg2[%add3A_203, %dma_wait3A_249, %dma_wait3A_257] : memref<1250x2x128xi32, #tpu.memory_space<hbm>> -> memref<125x1x128xi32, #tpu.memory_space<hbm>>
    %dma_wait3A_259 = tpu.memref_squeeze %dma_wait3A_258 : memref<125x1x128xi32, #tpu.memory_space<hbm>> -> memref<125x128xi32, #tpu.memory_space<hbm>>
    tpu.wait_dma2 semaphore(%dma_wait3A_256 : memref<!tpu.dma_semaphore, #tpu.memory_space<semaphore_mem>>) src(%dma_wait3A_259 : memref<125x128xi32, #tpu.memory_space<hbm>>) dst(%arg5 : memref<125x128xi32, #tpu.memory_space<vmem>>)
    %dma_wait3A_260 = arith.constant 0 : i32
    %dma_wait3A_261 = arith.constant 1 : i32
    %dma_wait3A_262 = arith.constant 0 : i32
    %dma_wait3A_263 = tpu.memref_slice %arg3[%select_n3A, %add3A_203, %select_n3A_28, %dma_wait3A_262] : memref<2x1250x8x128xf32, #tpu.memory_space<hbm>> -> memref<1x125x1x128xf32, #tpu.memory_space<hbm>>
    %dma_wait3A_264 = tpu.memref_squeeze %dma_wait3A_263 : memref<1x125x1x128xf32, #tpu.memory_space<hbm>> -> memref<125x128xf32, #tpu.memory_space<hbm>>
    %dma_wait3A_265 = tpu.memref_slice %arg10[%dma_wait3A_260, %dma_wait3A_261] : memref<2x2x!tpu.dma_semaphore, #tpu.memory_space<semaphore_mem>> -> memref<1x1x!tpu.dma_semaphore, #tpu.memory_space<semaphore_mem>>
    %dma_wait3A_266 = tpu.memref_squeeze %dma_wait3A_265 : memref<1x1x!tpu.dma_semaphore, #tpu.memory_space<semaphore_mem>> -> memref<!tpu.dma_semaphore, #tpu.memory_space<semaphore_mem>>
    %dma_wait3A_267 = arith.constant 0 : i32
    %dma_wait3A_268 = tpu.memref_slice %arg3[%select_n3A, %add3A_203, %select_n3A_28, %dma_wait3A_267] : memref<2x1250x8x128xf32, #tpu.memory_space<hbm>> -> memref<1x125x1x128xf32, #tpu.memory_space<hbm>>
    %dma_wait3A_269 = tpu.memref_squeeze %dma_wait3A_268 : memref<1x125x1x128xf32, #tpu.memory_space<hbm>> -> memref<125x128xf32, #tpu.memory_space<hbm>>
    tpu.wait_dma2 semaphore(%dma_wait3A_266 : memref<!tpu.dma_semaphore, #tpu.memory_space<semaphore_mem>>) src(%dma_wait3A_269 : memref<125x128xf32, #tpu.memory_space<hbm>>) dst(%arg7 : memref<125x128xf32, #tpu.memory_space<vmem>>)
    %parallel_loop3A_270 = arith.constant 0 : i32
    %parallel_loop3A_271 = arith.constant 1000 : i32
    %parallel_loop3A_272 = arith.constant 1 : i32
    scf.for %parallel_loop3A_278 = %parallel_loop3A_270 to %parallel_loop3A_271 step %parallel_loop3A_272  : i32 {
      %parallel_loop3A_279 = arith.constant 8 : i32
      %parallel_loop3A_280 = arith.divsi %parallel_loop3A_278, %parallel_loop3A_279 : i32
      %parallel_loop3A_281 = arith.constant 0 : i32
      %parallel_loop3A_282 = arith.cmpi sgt, %parallel_loop3A_278, %parallel_loop3A_281 : i32
      %parallel_loop3A_283 = arith.extui %parallel_loop3A_282 : i1 to i32
      %parallel_loop3A_284 = arith.constant 0 : i32
      %parallel_loop3A_285 = arith.cmpi slt, %parallel_loop3A_278, %parallel_loop3A_284 : i32
      %parallel_loop3A_286 = arith.extui %parallel_loop3A_285 : i1 to i32
      %parallel_loop3A_287 = arith.subi %parallel_loop3A_283, %parallel_loop3A_286 : i32
      %parallel_loop3A_288 = arith.constant 0 : i32
      %parallel_loop3A_289 = arith.cmpi sgt, %parallel_loop3A_279, %parallel_loop3A_288 : i32
      %parallel_loop3A_290 = arith.extui %parallel_loop3A_289 : i1 to i32
      %parallel_loop3A_291 = arith.constant 0 : i32
      %parallel_loop3A_292 = arith.cmpi slt, %parallel_loop3A_279, %parallel_loop3A_291 : i32
      %parallel_loop3A_293 = arith.extui %parallel_loop3A_292 : i1 to i32
      %parallel_loop3A_294 = arith.subi %parallel_loop3A_290, %parallel_loop3A_293 : i32
      %parallel_loop3A_295 = arith.cmpi ne, %parallel_loop3A_287, %parallel_loop3A_294 : i32
      %parallel_loop3A_296 = arith.remsi %parallel_loop3A_278, %parallel_loop3A_279 : i32
      %parallel_loop3A_297 = arith.constant 0 : i32
      %parallel_loop3A_298 = arith.cmpi ne, %parallel_loop3A_296, %parallel_loop3A_297 : i32
      %parallel_loop3A_299 = arith.andi %parallel_loop3A_295, %parallel_loop3A_298 : i1
      %parallel_loop3A_300 = arith.constant 1 : i32
      %parallel_loop3A_301 = arith.subi %parallel_loop3A_280, %parallel_loop3A_300 : i32
      %parallel_loop3A_302 = arith.select %parallel_loop3A_299, %parallel_loop3A_301, %parallel_loop3A_280 : i32
      %parallel_loop3A_303 = arith.constant 8 : i32
      %parallel_loop3A_304 = arith.constant 0 : i32
      %parallel_loop3A_305 = arith.cmpi eq, %parallel_loop3A_303, %parallel_loop3A_304 : i32
      %parallel_loop3A_306 = arith.constant 1 : i32
      %parallel_loop3A_307 = arith.select %parallel_loop3A_305, %parallel_loop3A_306, %parallel_loop3A_303 : i32
      %parallel_loop3A_308 = arith.remsi %parallel_loop3A_278, %parallel_loop3A_307 : i32
      %parallel_loop3A_309 = arith.constant 0 : i32
      %parallel_loop3A_310 = arith.cmpi ne, %parallel_loop3A_308, %parallel_loop3A_309 : i32
      %parallel_loop3A_311 = arith.constant 0 : i32
      %parallel_loop3A_312 = arith.cmpi slt, %parallel_loop3A_308, %parallel_loop3A_311 : i32
      %parallel_loop3A_313 = arith.constant 0 : i32
      %parallel_loop3A_314 = arith.cmpi slt, %parallel_loop3A_307, %parallel_loop3A_313 : i32
      %parallel_loop3A_315 = arith.xori %parallel_loop3A_312, %parallel_loop3A_314 : i1
      %parallel_loop3A_316 = arith.andi %parallel_loop3A_315, %parallel_loop3A_310 : i1
      %parallel_loop3A_317 = arith.addi %parallel_loop3A_308, %parallel_loop3A_307 : i32
      %parallel_loop3A_318 = arith.select %parallel_loop3A_316, %parallel_loop3A_317, %parallel_loop3A_308 : i32
      %parallel_loop3A_319 = arith.constant 16 : i32
      %parallel_loop3A_320 = arith.muli %parallel_loop3A_318, %parallel_loop3A_319 : i32
      %parallel_loop3A_321 = arith.index_cast %parallel_loop3A_302 : i32 to index
      %parallel_loop3A_322 = arith.index_cast %parallel_loop3A_320 : i32 to index
      %parallel_loop3A_323 = tpu.vector_load %arg5[%parallel_loop3A_321, %parallel_loop3A_322] {strides = array<i32>} : memref<125x128xi32, #tpu.memory_space<vmem>>, vector<16xi32>,
      %parallel_loop3A_324 = arith.constant 16 : i32
      %parallel_loop3A_325 = arith.muli %parallel_loop3A_318, %parallel_loop3A_324 : i32
      %parallel_loop3A_326 = arith.index_cast %parallel_loop3A_302 : i32 to index
      %parallel_loop3A_327 = arith.index_cast %parallel_loop3A_325 : i32 to index
      %parallel_loop3A_328 = tpu.vector_load %arg7[%parallel_loop3A_326, %parallel_loop3A_327] {strides = array<i32>} : memref<125x128xf32, #tpu.memory_space<vmem>>, vector<16xf32>,
      tpu.vector_store_idx %arg9[%parallel_loop3A_323], %parallel_loop3A_328 {add = true} : memref<10240xf32, #tpu.memory_space<vmem>>[vector<16xi32>], vector<16xf32>,
    } {sc.loop_unroll_factor = 16 : i64, sc.parallel_access}
    %mul3A_273 = arith.constant 16 : i32
    %mul3A_274 = arith.muli %arg0, %mul3A_273 : i32
    %add3A_275 = arith.addi %mul3A_274, %arg1 : i32
    %mul3A_276 = arith.constant 10240 : i32
    %mul3A_277 = arith.muli %add3A_275, %mul3A_276 : i32
    "tpu.region"() ({
      %run_scoped3A = tpu.sem_alloc : memref<!tpu.dma_semaphore, #tpu.memory_space<semaphore_mem>>
      %dma_start3A_278 = tpu.memref_slice %arg4[%mul3A_277] : memref<327680xf32, #tpu.memory_space<hbm>> -> memref<10240xf32, #tpu.memory_space<hbm>>
      %dma_start3A_279 = tpu.memref_slice %arg4[%mul3A_277] : memref<327680xf32, #tpu.memory_space<hbm>> -> memref<10240xf32, #tpu.memory_space<hbm>>
      tpu.enqueue_dma source(%arg9 : memref<10240xf32, #tpu.memory_space<vmem>>) target(%dma_start3A_279 : memref<10240xf32, #tpu.memory_space<hbm>>) target_semaphore(%run_scoped3A : memref<!tpu.dma_semaphore, #tpu.memory_space<semaphore_mem>>)
      %dma_wait3A_280 = tpu.memref_slice %arg4[%mul3A_277] : memref<327680xf32, #tpu.memory_space<hbm>> -> memref<10240xf32, #tpu.memory_space<hbm>>
      %dma_wait3A_281 = tpu.memref_slice %arg4[%mul3A_277] : memref<327680xf32, #tpu.memory_space<hbm>> -> memref<10240xf32, #tpu.memory_space<hbm>>
      tpu.wait_dma2 semaphore(%run_scoped3A : memref<!tpu.dma_semaphore, #tpu.memory_space<semaphore_mem>>) src(%arg9 : memref<10240xf32, #tpu.memory_space<vmem>>) dst(%dma_wait3A_281 : memref<10240xf32, #tpu.memory_space<hbm>>)
      tpu.yield
    }) : () -> ()
    return
  }
}

module attributes {stable_mosaic.version = 14 : i64} {
  func.func @_mlp_kernel(%arg0: i32, %arg1: memref<2048x256xf32, #tpu.memory_space<vmem>>, %arg2: memref<2x16x16x128xf32, #tpu.memory_space<vmem>>, %arg3: memref<256x256xf32, #tpu.memory_space<vmem>>, %arg4: memref<16x256xf32, #tpu.memory_space<vmem>>, %arg5: memref<1x256xf32, #tpu.memory_space<vmem>>, %arg6: memref<256x256xf32, #tpu.memory_space<vmem>>, %arg7: memref<1x256xf32, #tpu.memory_space<vmem>>, %arg8: memref<256x256xf32, #tpu.memory_space<vmem>>, %arg9: memref<1x256xf32, #tpu.memory_space<vmem>>, %arg10: memref<2048x256xf32, #tpu.memory_space<vmem>>) attributes {dimension_semantics = [#tpu.dimension_semantics<arbitrary>], iteration_bounds = array<i64: 5>, scalar_prefetch = 0 : i64, scratch_operands = 0 : i64, tpu.core_type = #tpu.core_type<tc>, window_params = [{transform_indices = @transform_0, window_bounds = array<i64: 2048, 256>}, {transform_indices = @transform_1, window_bounds = array<i64: 2, 16, 16, 128>}, {pipeline_mode = #tpu.pipeline_mode<synchronous>, transform_indices = @transform_2, window_bounds = array<i64: 256, 256>}, {pipeline_mode = #tpu.pipeline_mode<synchronous>, transform_indices = @transform_3, window_bounds = array<i64: 16, 256>}, {pipeline_mode = #tpu.pipeline_mode<synchronous>, transform_indices = @transform_4, window_bounds = array<i64: 1, 256>}, {pipeline_mode = #tpu.pipeline_mode<synchronous>, transform_indices = @transform_5, window_bounds = array<i64: 256, 256>}, {pipeline_mode = #tpu.pipeline_mode<synchronous>, transform_indices = @transform_6, window_bounds = array<i64: 1, 256>}, {pipeline_mode = #tpu.pipeline_mode<synchronous>, transform_indices = @transform_7, window_bounds = array<i64: 256, 256>}, {pipeline_mode = #tpu.pipeline_mode<synchronous>, transform_indices = @transform_8, window_bounds = array<i64: 1, 256>}, {transform_indices = @transform_9, window_bounds = array<i64: 2048, 256>}]} {
    %get3A = arith.constant 0 : index
    %get3A_0 = arith.constant 0 : index
    %get3A_1 = arith.constant 0 : index
    %get3A_2 = arith.constant 0 : index
    %get3A_3 = vector.load %arg2[%get3A, %get3A_0, %get3A_1, %get3A_2] : memref<2x16x16x128xf32, #tpu.memory_space<vmem>>, vector<1x16x1x128xf32>
    %get3A_4 = vector.shape_cast %get3A_3 : vector<1x16x1x128xf32> to vector<16x128xf32>
    %get3A_5 = arith.constant 1 : index
    %get3A_6 = arith.constant 0 : index
    %get3A_7 = arith.constant 0 : index
    %get3A_8 = arith.constant 0 : index
    %get3A_9 = vector.load %arg2[%get3A_5, %get3A_6, %get3A_7, %get3A_8] : memref<2x16x16x128xf32, #tpu.memory_space<vmem>>, vector<1x16x1x128xf32>
    %get3A_10 = vector.shape_cast %get3A_9 : vector<1x16x1x128xf32> to vector<16x128xf32>
    %add3A = arith.addf %get3A_4, %get3A_10 : vector<16x128xf32>
    %transpose3A = tpu.transpose %add3A, [1, 0] : vector<16x128xf32> -> vector<128x16xf32>
    %get3A_11 = arith.constant 0 : index
    %get3A_12 = arith.constant 0 : index
    %get3A_13 = vector.load %arg4[%get3A_11, %get3A_12] : memref<16x256xf32, #tpu.memory_space<vmem>>, vector<16x256xf32>
    %dot_general3A = arith.constant dense<0.000000e+00> : vector<128x256xf32>
    %dot_general3A_14 = tpu.matmul %transpose3A, %get3A_13, %dot_general3A {dimension_numbers = #tpu.dot_dimension_numbers<[1], [0], [0], [1], [0, 0, 1, 1], [], []>, transpose_lhs_hint = false} : vector<128x16xf32>, vector<16x256xf32>, vector<128x256xf32> -> vector<128x256xf32>
    %get3A_15 = arith.constant 0 : index
    %get3A_16 = arith.constant 0 : index
    %get3A_17 = arith.constant 1 : index
    %get3A_18 = arith.constant 0 : index
    %get3A_19 = vector.load %arg2[%get3A_15, %get3A_16, %get3A_17, %get3A_18] : memref<2x16x16x128xf32, #tpu.memory_space<vmem>>, vector<1x16x1x128xf32>
    %get3A_20 = vector.shape_cast %get3A_19 : vector<1x16x1x128xf32> to vector<16x128xf32>
    %get3A_21 = arith.constant 1 : index
    %get3A_22 = arith.constant 0 : index
    %get3A_23 = arith.constant 1 : index
    %get3A_24 = arith.constant 0 : index
    %get3A_25 = vector.load %arg2[%get3A_21, %get3A_22, %get3A_23, %get3A_24] : memref<2x16x16x128xf32, #tpu.memory_space<vmem>>, vector<1x16x1x128xf32>
    %get3A_26 = vector.shape_cast %get3A_25 : vector<1x16x1x128xf32> to vector<16x128xf32>
    %add3A_27 = arith.addf %get3A_20, %get3A_26 : vector<16x128xf32>
    %transpose3A_28 = tpu.transpose %add3A_27, [1, 0] : vector<16x128xf32> -> vector<128x16xf32>
    %get3A_29 = arith.constant 0 : index
    %get3A_30 = arith.constant 0 : index
    %get3A_31 = vector.load %arg4[%get3A_29, %get3A_30] : memref<16x256xf32, #tpu.memory_space<vmem>>, vector<16x256xf32>
    %dot_general3A_32 = arith.constant dense<0.000000e+00> : vector<128x256xf32>
    %dot_general3A_33 = tpu.matmul %transpose3A_28, %get3A_31, %dot_general3A_32 {dimension_numbers = #tpu.dot_dimension_numbers<[1], [0], [0], [1], [0, 0, 1, 1], [], []>, transpose_lhs_hint = false} : vector<128x16xf32>, vector<16x256xf32>, vector<128x256xf32> -> vector<128x256xf32>
    %get3A_34 = arith.constant 0 : index
    %get3A_35 = arith.constant 0 : index
    %get3A_36 = arith.constant 2 : index
    %get3A_37 = arith.constant 0 : index
    %get3A_38 = vector.load %arg2[%get3A_34, %get3A_35, %get3A_36, %get3A_37] : memref<2x16x16x128xf32, #tpu.memory_space<vmem>>, vector<1x16x1x128xf32>
    %get3A_39 = vector.shape_cast %get3A_38 : vector<1x16x1x128xf32> to vector<16x128xf32>
    %get3A_40 = arith.constant 1 : index
    %get3A_41 = arith.constant 0 : index
    %get3A_42 = arith.constant 2 : index
    %get3A_43 = arith.constant 0 : index
    %get3A_44 = vector.load %arg2[%get3A_40, %get3A_41, %get3A_42, %get3A_43] : memref<2x16x16x128xf32, #tpu.memory_space<vmem>>, vector<1x16x1x128xf32>
    %get3A_45 = vector.shape_cast %get3A_44 : vector<1x16x1x128xf32> to vector<16x128xf32>
    %add3A_46 = arith.addf %get3A_39, %get3A_45 : vector<16x128xf32>
    %transpose3A_47 = tpu.transpose %add3A_46, [1, 0] : vector<16x128xf32> -> vector<128x16xf32>
    %get3A_48 = arith.constant 0 : index
    %get3A_49 = arith.constant 0 : index
    %get3A_50 = vector.load %arg4[%get3A_48, %get3A_49] : memref<16x256xf32, #tpu.memory_space<vmem>>, vector<16x256xf32>
    %dot_general3A_51 = arith.constant dense<0.000000e+00> : vector<128x256xf32>
    %dot_general3A_52 = tpu.matmul %transpose3A_47, %get3A_50, %dot_general3A_51 {dimension_numbers = #tpu.dot_dimension_numbers<[1], [0], [0], [1], [0, 0, 1, 1], [], []>, transpose_lhs_hint = false} : vector<128x16xf32>, vector<16x256xf32>, vector<128x256xf32> -> vector<128x256xf32>
    %get3A_53 = arith.constant 0 : index
    %get3A_54 = arith.constant 0 : index
    %get3A_55 = arith.constant 3 : index
    %get3A_56 = arith.constant 0 : index
    %get3A_57 = vector.load %arg2[%get3A_53, %get3A_54, %get3A_55, %get3A_56] : memref<2x16x16x128xf32, #tpu.memory_space<vmem>>, vector<1x16x1x128xf32>
    %get3A_58 = vector.shape_cast %get3A_57 : vector<1x16x1x128xf32> to vector<16x128xf32>
    %get3A_59 = arith.constant 1 : index
    %get3A_60 = arith.constant 0 : index
    %get3A_61 = arith.constant 3 : index
    %get3A_62 = arith.constant 0 : index
    %get3A_63 = vector.load %arg2[%get3A_59, %get3A_60, %get3A_61, %get3A_62] : memref<2x16x16x128xf32, #tpu.memory_space<vmem>>, vector<1x16x1x128xf32>
    %get3A_64 = vector.shape_cast %get3A_63 : vector<1x16x1x128xf32> to vector<16x128xf32>
    %add3A_65 = arith.addf %get3A_58, %get3A_64 : vector<16x128xf32>
    %transpose3A_66 = tpu.transpose %add3A_65, [1, 0] : vector<16x128xf32> -> vector<128x16xf32>
    %get3A_67 = arith.constant 0 : index
    %get3A_68 = arith.constant 0 : index
    %get3A_69 = vector.load %arg4[%get3A_67, %get3A_68] : memref<16x256xf32, #tpu.memory_space<vmem>>, vector<16x256xf32>
    %dot_general3A_70 = arith.constant dense<0.000000e+00> : vector<128x256xf32>
    %dot_general3A_71 = tpu.matmul %transpose3A_66, %get3A_69, %dot_general3A_70 {dimension_numbers = #tpu.dot_dimension_numbers<[1], [0], [0], [1], [0, 0, 1, 1], [], []>, transpose_lhs_hint = false} : vector<128x16xf32>, vector<16x256xf32>, vector<128x256xf32> -> vector<128x256xf32>
    %get3A_72 = arith.constant 0 : index
    %get3A_73 = arith.constant 0 : index
    %get3A_74 = arith.constant 4 : index
    %get3A_75 = arith.constant 0 : index
    %get3A_76 = vector.load %arg2[%get3A_72, %get3A_73, %get3A_74, %get3A_75] : memref<2x16x16x128xf32, #tpu.memory_space<vmem>>, vector<1x16x1x128xf32>
    %get3A_77 = vector.shape_cast %get3A_76 : vector<1x16x1x128xf32> to vector<16x128xf32>
    %get3A_78 = arith.constant 1 : index
    %get3A_79 = arith.constant 0 : index
    %get3A_80 = arith.constant 4 : index
    %get3A_81 = arith.constant 0 : index
    %get3A_82 = vector.load %arg2[%get3A_78, %get3A_79, %get3A_80, %get3A_81] : memref<2x16x16x128xf32, #tpu.memory_space<vmem>>, vector<1x16x1x128xf32>
    %get3A_83 = vector.shape_cast %get3A_82 : vector<1x16x1x128xf32> to vector<16x128xf32>
    %add3A_84 = arith.addf %get3A_77, %get3A_83 : vector<16x128xf32>
    %transpose3A_85 = tpu.transpose %add3A_84, [1, 0] : vector<16x128xf32> -> vector<128x16xf32>
    %get3A_86 = arith.constant 0 : index
    %get3A_87 = arith.constant 0 : index
    %get3A_88 = vector.load %arg4[%get3A_86, %get3A_87] : memref<16x256xf32, #tpu.memory_space<vmem>>, vector<16x256xf32>
    %dot_general3A_89 = arith.constant dense<0.000000e+00> : vector<128x256xf32>
    %dot_general3A_90 = tpu.matmul %transpose3A_85, %get3A_88, %dot_general3A_89 {dimension_numbers = #tpu.dot_dimension_numbers<[1], [0], [0], [1], [0, 0, 1, 1], [], []>, transpose_lhs_hint = false} : vector<128x16xf32>, vector<16x256xf32>, vector<128x256xf32> -> vector<128x256xf32>
    %get3A_91 = arith.constant 0 : index
    %get3A_92 = arith.constant 0 : index
    %get3A_93 = arith.constant 5 : index
    %get3A_94 = arith.constant 0 : index
    %get3A_95 = vector.load %arg2[%get3A_91, %get3A_92, %get3A_93, %get3A_94] : memref<2x16x16x128xf32, #tpu.memory_space<vmem>>, vector<1x16x1x128xf32>
    %get3A_96 = vector.shape_cast %get3A_95 : vector<1x16x1x128xf32> to vector<16x128xf32>
    %get3A_97 = arith.constant 1 : index
    %get3A_98 = arith.constant 0 : index
    %get3A_99 = arith.constant 5 : index
    %get3A_100 = arith.constant 0 : index
    %get3A_101 = vector.load %arg2[%get3A_97, %get3A_98, %get3A_99, %get3A_100] : memref<2x16x16x128xf32, #tpu.memory_space<vmem>>, vector<1x16x1x128xf32>
    %get3A_102 = vector.shape_cast %get3A_101 : vector<1x16x1x128xf32> to vector<16x128xf32>
    %add3A_103 = arith.addf %get3A_96, %get3A_102 : vector<16x128xf32>
    %transpose3A_104 = tpu.transpose %add3A_103, [1, 0] : vector<16x128xf32> -> vector<128x16xf32>
    %get3A_105 = arith.constant 0 : index
    %get3A_106 = arith.constant 0 : index
    %get3A_107 = vector.load %arg4[%get3A_105, %get3A_106] : memref<16x256xf32, #tpu.memory_space<vmem>>, vector<16x256xf32>
    %dot_general3A_108 = arith.constant dense<0.000000e+00> : vector<128x256xf32>
    %dot_general3A_109 = tpu.matmul %transpose3A_104, %get3A_107, %dot_general3A_108 {dimension_numbers = #tpu.dot_dimension_numbers<[1], [0], [0], [1], [0, 0, 1, 1], [], []>, transpose_lhs_hint = false} : vector<128x16xf32>, vector<16x256xf32>, vector<128x256xf32> -> vector<128x256xf32>
    %get3A_110 = arith.constant 0 : index
    %get3A_111 = arith.constant 0 : index
    %get3A_112 = arith.constant 6 : index
    %get3A_113 = arith.constant 0 : index
    %get3A_114 = vector.load %arg2[%get3A_110, %get3A_111, %get3A_112, %get3A_113] : memref<2x16x16x128xf32, #tpu.memory_space<vmem>>, vector<1x16x1x128xf32>
    %get3A_115 = vector.shape_cast %get3A_114 : vector<1x16x1x128xf32> to vector<16x128xf32>
    %get3A_116 = arith.constant 1 : index
    %get3A_117 = arith.constant 0 : index
    %get3A_118 = arith.constant 6 : index
    %get3A_119 = arith.constant 0 : index
    %get3A_120 = vector.load %arg2[%get3A_116, %get3A_117, %get3A_118, %get3A_119] : memref<2x16x16x128xf32, #tpu.memory_space<vmem>>, vector<1x16x1x128xf32>
    %get3A_121 = vector.shape_cast %get3A_120 : vector<1x16x1x128xf32> to vector<16x128xf32>
    %add3A_122 = arith.addf %get3A_115, %get3A_121 : vector<16x128xf32>
    %transpose3A_123 = tpu.transpose %add3A_122, [1, 0] : vector<16x128xf32> -> vector<128x16xf32>
    %get3A_124 = arith.constant 0 : index
    %get3A_125 = arith.constant 0 : index
    %get3A_126 = vector.load %arg4[%get3A_124, %get3A_125] : memref<16x256xf32, #tpu.memory_space<vmem>>, vector<16x256xf32>
    %dot_general3A_127 = arith.constant dense<0.000000e+00> : vector<128x256xf32>
    %dot_general3A_128 = tpu.matmul %transpose3A_123, %get3A_126, %dot_general3A_127 {dimension_numbers = #tpu.dot_dimension_numbers<[1], [0], [0], [1], [0, 0, 1, 1], [], []>, transpose_lhs_hint = false} : vector<128x16xf32>, vector<16x256xf32>, vector<128x256xf32> -> vector<128x256xf32>
    %get3A_129 = arith.constant 0 : index
    %get3A_130 = arith.constant 0 : index
    %get3A_131 = arith.constant 7 : index
    %get3A_132 = arith.constant 0 : index
    %get3A_133 = vector.load %arg2[%get3A_129, %get3A_130, %get3A_131, %get3A_132] : memref<2x16x16x128xf32, #tpu.memory_space<vmem>>, vector<1x16x1x128xf32>
    %get3A_134 = vector.shape_cast %get3A_133 : vector<1x16x1x128xf32> to vector<16x128xf32>
    %get3A_135 = arith.constant 1 : index
    %get3A_136 = arith.constant 0 : index
    %get3A_137 = arith.constant 7 : index
    %get3A_138 = arith.constant 0 : index
    %get3A_139 = vector.load %arg2[%get3A_135, %get3A_136, %get3A_137, %get3A_138] : memref<2x16x16x128xf32, #tpu.memory_space<vmem>>, vector<1x16x1x128xf32>
    %get3A_140 = vector.shape_cast %get3A_139 : vector<1x16x1x128xf32> to vector<16x128xf32>
    %add3A_141 = arith.addf %get3A_134, %get3A_140 : vector<16x128xf32>
    %transpose3A_142 = tpu.transpose %add3A_141, [1, 0] : vector<16x128xf32> -> vector<128x16xf32>
    %get3A_143 = arith.constant 0 : index
    %get3A_144 = arith.constant 0 : index
    %get3A_145 = vector.load %arg4[%get3A_143, %get3A_144] : memref<16x256xf32, #tpu.memory_space<vmem>>, vector<16x256xf32>
    %dot_general3A_146 = arith.constant dense<0.000000e+00> : vector<128x256xf32>
    %dot_general3A_147 = tpu.matmul %transpose3A_142, %get3A_145, %dot_general3A_146 {dimension_numbers = #tpu.dot_dimension_numbers<[1], [0], [0], [1], [0, 0, 1, 1], [], []>, transpose_lhs_hint = false} : vector<128x16xf32>, vector<16x256xf32>, vector<128x256xf32> -> vector<128x256xf32>
    %get3A_148 = arith.constant 0 : index
    %get3A_149 = arith.constant 0 : index
    %get3A_150 = arith.constant 8 : index
    %get3A_151 = arith.constant 0 : index
    %get3A_152 = vector.load %arg2[%get3A_148, %get3A_149, %get3A_150, %get3A_151] : memref<2x16x16x128xf32, #tpu.memory_space<vmem>>, vector<1x16x1x128xf32>
    %get3A_153 = vector.shape_cast %get3A_152 : vector<1x16x1x128xf32> to vector<16x128xf32>
    %get3A_154 = arith.constant 1 : index
    %get3A_155 = arith.constant 0 : index
    %get3A_156 = arith.constant 8 : index
    %get3A_157 = arith.constant 0 : index
    %get3A_158 = vector.load %arg2[%get3A_154, %get3A_155, %get3A_156, %get3A_157] : memref<2x16x16x128xf32, #tpu.memory_space<vmem>>, vector<1x16x1x128xf32>
    %get3A_159 = vector.shape_cast %get3A_158 : vector<1x16x1x128xf32> to vector<16x128xf32>
    %add3A_160 = arith.addf %get3A_153, %get3A_159 : vector<16x128xf32>
    %transpose3A_161 = tpu.transpose %add3A_160, [1, 0] : vector<16x128xf32> -> vector<128x16xf32>
    %get3A_162 = arith.constant 0 : index
    %get3A_163 = arith.constant 0 : index
    %get3A_164 = vector.load %arg4[%get3A_162, %get3A_163] : memref<16x256xf32, #tpu.memory_space<vmem>>, vector<16x256xf32>
    %dot_general3A_165 = arith.constant dense<0.000000e+00> : vector<128x256xf32>
    %dot_general3A_166 = tpu.matmul %transpose3A_161, %get3A_164, %dot_general3A_165 {dimension_numbers = #tpu.dot_dimension_numbers<[1], [0], [0], [1], [0, 0, 1, 1], [], []>, transpose_lhs_hint = false} : vector<128x16xf32>, vector<16x256xf32>, vector<128x256xf32> -> vector<128x256xf32>
    %get3A_167 = arith.constant 0 : index
    %get3A_168 = arith.constant 0 : index
    %get3A_169 = arith.constant 9 : index
    %get3A_170 = arith.constant 0 : index
    %get3A_171 = vector.load %arg2[%get3A_167, %get3A_168, %get3A_169, %get3A_170] : memref<2x16x16x128xf32, #tpu.memory_space<vmem>>, vector<1x16x1x128xf32>
    %get3A_172 = vector.shape_cast %get3A_171 : vector<1x16x1x128xf32> to vector<16x128xf32>
    %get3A_173 = arith.constant 1 : index
    %get3A_174 = arith.constant 0 : index
    %get3A_175 = arith.constant 9 : index
    %get3A_176 = arith.constant 0 : index
    %get3A_177 = vector.load %arg2[%get3A_173, %get3A_174, %get3A_175, %get3A_176] : memref<2x16x16x128xf32, #tpu.memory_space<vmem>>, vector<1x16x1x128xf32>
    %get3A_178 = vector.shape_cast %get3A_177 : vector<1x16x1x128xf32> to vector<16x128xf32>
    %add3A_179 = arith.addf %get3A_172, %get3A_178 : vector<16x128xf32>
    %transpose3A_180 = tpu.transpose %add3A_179, [1, 0] : vector<16x128xf32> -> vector<128x16xf32>
    %get3A_181 = arith.constant 0 : index
    %get3A_182 = arith.constant 0 : index
    %get3A_183 = vector.load %arg4[%get3A_181, %get3A_182] : memref<16x256xf32, #tpu.memory_space<vmem>>, vector<16x256xf32>
    %dot_general3A_184 = arith.constant dense<0.000000e+00> : vector<128x256xf32>
    %dot_general3A_185 = tpu.matmul %transpose3A_180, %get3A_183, %dot_general3A_184 {dimension_numbers = #tpu.dot_dimension_numbers<[1], [0], [0], [1], [0, 0, 1, 1], [], []>, transpose_lhs_hint = false} : vector<128x16xf32>, vector<16x256xf32>, vector<128x256xf32> -> vector<128x256xf32>
    %get3A_186 = arith.constant 0 : index
    %get3A_187 = arith.constant 0 : index
    %get3A_188 = arith.constant 10 : index
    %get3A_189 = arith.constant 0 : index
    %get3A_190 = vector.load %arg2[%get3A_186, %get3A_187, %get3A_188, %get3A_189] : memref<2x16x16x128xf32, #tpu.memory_space<vmem>>, vector<1x16x1x128xf32>
    %get3A_191 = vector.shape_cast %get3A_190 : vector<1x16x1x128xf32> to vector<16x128xf32>
    %get3A_192 = arith.constant 1 : index
    %get3A_193 = arith.constant 0 : index
    %get3A_194 = arith.constant 10 : index
    %get3A_195 = arith.constant 0 : index
    %get3A_196 = vector.load %arg2[%get3A_192, %get3A_193, %get3A_194, %get3A_195] : memref<2x16x16x128xf32, #tpu.memory_space<vmem>>, vector<1x16x1x128xf32>
    %get3A_197 = vector.shape_cast %get3A_196 : vector<1x16x1x128xf32> to vector<16x128xf32>
    %add3A_198 = arith.addf %get3A_191, %get3A_197 : vector<16x128xf32>
    %transpose3A_199 = tpu.transpose %add3A_198, [1, 0] : vector<16x128xf32> -> vector<128x16xf32>
    %get3A_200 = arith.constant 0 : index
    %get3A_201 = arith.constant 0 : index
    %get3A_202 = vector.load %arg4[%get3A_200, %get3A_201] : memref<16x256xf32, #tpu.memory_space<vmem>>, vector<16x256xf32>
    %dot_general3A_203 = arith.constant dense<0.000000e+00> : vector<128x256xf32>
    %dot_general3A_204 = tpu.matmul %transpose3A_199, %get3A_202, %dot_general3A_203 {dimension_numbers = #tpu.dot_dimension_numbers<[1], [0], [0], [1], [0, 0, 1, 1], [], []>, transpose_lhs_hint = false} : vector<128x16xf32>, vector<16x256xf32>, vector<128x256xf32> -> vector<128x256xf32>
    %get3A_205 = arith.constant 0 : index
    %get3A_206 = arith.constant 0 : index
    %get3A_207 = arith.constant 11 : index
    %get3A_208 = arith.constant 0 : index
    %get3A_209 = vector.load %arg2[%get3A_205, %get3A_206, %get3A_207, %get3A_208] : memref<2x16x16x128xf32, #tpu.memory_space<vmem>>, vector<1x16x1x128xf32>
    %get3A_210 = vector.shape_cast %get3A_209 : vector<1x16x1x128xf32> to vector<16x128xf32>
    %get3A_211 = arith.constant 1 : index
    %get3A_212 = arith.constant 0 : index
    %get3A_213 = arith.constant 11 : index
    %get3A_214 = arith.constant 0 : index
    %get3A_215 = vector.load %arg2[%get3A_211, %get3A_212, %get3A_213, %get3A_214] : memref<2x16x16x128xf32, #tpu.memory_space<vmem>>, vector<1x16x1x128xf32>
    %get3A_216 = vector.shape_cast %get3A_215 : vector<1x16x1x128xf32> to vector<16x128xf32>
    %add3A_217 = arith.addf %get3A_210, %get3A_216 : vector<16x128xf32>
    %transpose3A_218 = tpu.transpose %add3A_217, [1, 0] : vector<16x128xf32> -> vector<128x16xf32>
    %get3A_219 = arith.constant 0 : index
    %get3A_220 = arith.constant 0 : index
    %get3A_221 = vector.load %arg4[%get3A_219, %get3A_220] : memref<16x256xf32, #tpu.memory_space<vmem>>, vector<16x256xf32>
    %dot_general3A_222 = arith.constant dense<0.000000e+00> : vector<128x256xf32>
    %dot_general3A_223 = tpu.matmul %transpose3A_218, %get3A_221, %dot_general3A_222 {dimension_numbers = #tpu.dot_dimension_numbers<[1], [0], [0], [1], [0, 0, 1, 1], [], []>, transpose_lhs_hint = false} : vector<128x16xf32>, vector<16x256xf32>, vector<128x256xf32> -> vector<128x256xf32>
    %get3A_224 = arith.constant 0 : index
    %get3A_225 = arith.constant 0 : index
    %get3A_226 = arith.constant 12 : index
    %get3A_227 = arith.constant 0 : index
    %get3A_228 = vector.load %arg2[%get3A_224, %get3A_225, %get3A_226, %get3A_227] : memref<2x16x16x128xf32, #tpu.memory_space<vmem>>, vector<1x16x1x128xf32>
    %get3A_229 = vector.shape_cast %get3A_228 : vector<1x16x1x128xf32> to vector<16x128xf32>
    %get3A_230 = arith.constant 1 : index
    %get3A_231 = arith.constant 0 : index
    %get3A_232 = arith.constant 12 : index
    %get3A_233 = arith.constant 0 : index
    %get3A_234 = vector.load %arg2[%get3A_230, %get3A_231, %get3A_232, %get3A_233] : memref<2x16x16x128xf32, #tpu.memory_space<vmem>>, vector<1x16x1x128xf32>
    %get3A_235 = vector.shape_cast %get3A_234 : vector<1x16x1x128xf32> to vector<16x128xf32>
    %add3A_236 = arith.addf %get3A_229, %get3A_235 : vector<16x128xf32>
    %transpose3A_237 = tpu.transpose %add3A_236, [1, 0] : vector<16x128xf32> -> vector<128x16xf32>
    %get3A_238 = arith.constant 0 : index
    %get3A_239 = arith.constant 0 : index
    %get3A_240 = vector.load %arg4[%get3A_238, %get3A_239] : memref<16x256xf32, #tpu.memory_space<vmem>>, vector<16x256xf32>
    %dot_general3A_241 = arith.constant dense<0.000000e+00> : vector<128x256xf32>
    %dot_general3A_242 = tpu.matmul %transpose3A_237, %get3A_240, %dot_general3A_241 {dimension_numbers = #tpu.dot_dimension_numbers<[1], [0], [0], [1], [0, 0, 1, 1], [], []>, transpose_lhs_hint = false} : vector<128x16xf32>, vector<16x256xf32>, vector<128x256xf32> -> vector<128x256xf32>
    %get3A_243 = arith.constant 0 : index
    %get3A_244 = arith.constant 0 : index
    %get3A_245 = arith.constant 13 : index
    %get3A_246 = arith.constant 0 : index
    %get3A_247 = vector.load %arg2[%get3A_243, %get3A_244, %get3A_245, %get3A_246] : memref<2x16x16x128xf32, #tpu.memory_space<vmem>>, vector<1x16x1x128xf32>
    %get3A_248 = vector.shape_cast %get3A_247 : vector<1x16x1x128xf32> to vector<16x128xf32>
    %get3A_249 = arith.constant 1 : index
    %get3A_250 = arith.constant 0 : index
    %get3A_251 = arith.constant 13 : index
    %get3A_252 = arith.constant 0 : index
    %get3A_253 = vector.load %arg2[%get3A_249, %get3A_250, %get3A_251, %get3A_252] : memref<2x16x16x128xf32, #tpu.memory_space<vmem>>, vector<1x16x1x128xf32>
    %get3A_254 = vector.shape_cast %get3A_253 : vector<1x16x1x128xf32> to vector<16x128xf32>
    %add3A_255 = arith.addf %get3A_248, %get3A_254 : vector<16x128xf32>
    %transpose3A_256 = tpu.transpose %add3A_255, [1, 0] : vector<16x128xf32> -> vector<128x16xf32>
    %get3A_257 = arith.constant 0 : index
    %get3A_258 = arith.constant 0 : index
    %get3A_259 = vector.load %arg4[%get3A_257, %get3A_258] : memref<16x256xf32, #tpu.memory_space<vmem>>, vector<16x256xf32>
    %dot_general3A_260 = arith.constant dense<0.000000e+00> : vector<128x256xf32>
    %dot_general3A_261 = tpu.matmul %transpose3A_256, %get3A_259, %dot_general3A_260 {dimension_numbers = #tpu.dot_dimension_numbers<[1], [0], [0], [1], [0, 0, 1, 1], [], []>, transpose_lhs_hint = false} : vector<128x16xf32>, vector<16x256xf32>, vector<128x256xf32> -> vector<128x256xf32>
    %get3A_262 = arith.constant 0 : index
    %get3A_263 = arith.constant 0 : index
    %get3A_264 = arith.constant 14 : index
    %get3A_265 = arith.constant 0 : index
    %get3A_266 = vector.load %arg2[%get3A_262, %get3A_263, %get3A_264, %get3A_265] : memref<2x16x16x128xf32, #tpu.memory_space<vmem>>, vector<1x16x1x128xf32>
    %get3A_267 = vector.shape_cast %get3A_266 : vector<1x16x1x128xf32> to vector<16x128xf32>
    %get3A_268 = arith.constant 1 : index
    %get3A_269 = arith.constant 0 : index
    %get3A_270 = arith.constant 14 : index
    %get3A_271 = arith.constant 0 : index
    %get3A_272 = vector.load %arg2[%get3A_268, %get3A_269, %get3A_270, %get3A_271] : memref<2x16x16x128xf32, #tpu.memory_space<vmem>>, vector<1x16x1x128xf32>
    %get3A_273 = vector.shape_cast %get3A_272 : vector<1x16x1x128xf32> to vector<16x128xf32>
    %add3A_274 = arith.addf %get3A_267, %get3A_273 : vector<16x128xf32>
    %transpose3A_275 = tpu.transpose %add3A_274, [1, 0] : vector<16x128xf32> -> vector<128x16xf32>
    %get3A_276 = arith.constant 0 : index
    %get3A_277 = arith.constant 0 : index
    %get3A_278 = vector.load %arg4[%get3A_276, %get3A_277] : memref<16x256xf32, #tpu.memory_space<vmem>>, vector<16x256xf32>
    %dot_general3A_279 = arith.constant dense<0.000000e+00> : vector<128x256xf32>
    %dot_general3A_280 = tpu.matmul %transpose3A_275, %get3A_278, %dot_general3A_279 {dimension_numbers = #tpu.dot_dimension_numbers<[1], [0], [0], [1], [0, 0, 1, 1], [], []>, transpose_lhs_hint = false} : vector<128x16xf32>, vector<16x256xf32>, vector<128x256xf32> -> vector<128x256xf32>
    %get3A_281 = arith.constant 0 : index
    %get3A_282 = arith.constant 0 : index
    %get3A_283 = arith.constant 15 : index
    %get3A_284 = arith.constant 0 : index
    %get3A_285 = vector.load %arg2[%get3A_281, %get3A_282, %get3A_283, %get3A_284] : memref<2x16x16x128xf32, #tpu.memory_space<vmem>>, vector<1x16x1x128xf32>
    %get3A_286 = vector.shape_cast %get3A_285 : vector<1x16x1x128xf32> to vector<16x128xf32>
    %get3A_287 = arith.constant 1 : index
    %get3A_288 = arith.constant 0 : index
    %get3A_289 = arith.constant 15 : index
    %get3A_290 = arith.constant 0 : index
    %get3A_291 = vector.load %arg2[%get3A_287, %get3A_288, %get3A_289, %get3A_290] : memref<2x16x16x128xf32, #tpu.memory_space<vmem>>, vector<1x16x1x128xf32>
    %get3A_292 = vector.shape_cast %get3A_291 : vector<1x16x1x128xf32> to vector<16x128xf32>
    %add3A_293 = arith.addf %get3A_286, %get3A_292 : vector<16x128xf32>
    %transpose3A_294 = tpu.transpose %add3A_293, [1, 0] : vector<16x128xf32> -> vector<128x16xf32>
    %get3A_295 = arith.constant 0 : index
    %get3A_296 = arith.constant 0 : index
    %get3A_297 = vector.load %arg4[%get3A_295, %get3A_296] : memref<16x256xf32, #tpu.memory_space<vmem>>, vector<16x256xf32>
    %dot_general3A_298 = arith.constant dense<0.000000e+00> : vector<128x256xf32>
    %dot_general3A_299 = tpu.matmul %transpose3A_294, %get3A_297, %dot_general3A_298 {dimension_numbers = #tpu.dot_dimension_numbers<[1], [0], [0], [1], [0, 0, 1, 1], [], []>, transpose_lhs_hint = false} : vector<128x16xf32>, vector<16x256xf32>, vector<128x256xf32> -> vector<128x256xf32>
    %concatenate3A = tpu.concatenate %dot_general3A_14, %dot_general3A_33, %dot_general3A_52, %dot_general3A_71, %dot_general3A_90, %dot_general3A_109, %dot_general3A_128, %dot_general3A_147, %dot_general3A_166, %dot_general3A_185, %dot_general3A_204, %dot_general3A_223, %dot_general3A_242, %dot_general3A_261, %dot_general3A_280, %dot_general3A_299 in 0 : vector<128x256xf32>, vector<128x256xf32>, vector<128x256xf32>, vector<128x256xf32>, vector<128x256xf32>, vector<128x256xf32>, vector<128x256xf32>, vector<128x256xf32>, vector<128x256xf32>, vector<128x256xf32>, vector<128x256xf32>, vector<128x256xf32>, vector<128x256xf32>, vector<128x256xf32>, vector<128x256xf32>, vector<128x256xf32> -> vector<2048x256xf32>
    %get3A_300 = arith.constant 0 : index
    %get3A_301 = arith.constant 0 : index
    %get3A_302 = vector.load %arg1[%get3A_300, %get3A_301] : memref<2048x256xf32, #tpu.memory_space<vmem>>, vector<2048x256xf32>
    %get3A_303 = arith.constant 0 : index
    %get3A_304 = arith.constant 0 : index
    %get3A_305 = vector.load %arg3[%get3A_303, %get3A_304] : memref<256x256xf32, #tpu.memory_space<vmem>>, vector<256x256xf32>
    %dot_general3A_306 = arith.constant dense<0.000000e+00> : vector<2048x256xf32>
    %dot_general3A_307 = tpu.matmul %get3A_302, %get3A_305, %dot_general3A_306 {dimension_numbers = #tpu.dot_dimension_numbers<[1], [0], [0], [1], [0, 0, 1, 1], [], []>, transpose_lhs_hint = false} : vector<2048x256xf32>, vector<256x256xf32>, vector<2048x256xf32> -> vector<2048x256xf32>
    %add3A_308 = arith.addf %dot_general3A_307, %concatenate3A : vector<2048x256xf32>
    %get3A_309 = arith.constant 0 : index
    %get3A_310 = arith.constant 0 : index
    %get3A_311 = vector.load %arg5[%get3A_309, %get3A_310] : memref<1x256xf32, #tpu.memory_space<vmem>>, vector<1x256xf32>
    %add3A_312 = vector.broadcast %get3A_311 : vector<1x256xf32> to vector<2048x256xf32>
    %add3A_313 = arith.addf %add3A_308, %add3A_312 : vector<2048x256xf32>
    %ge3A = arith.constant 0.000000e+00 : f32
    %ge3A_314 = vector.broadcast %ge3A : f32 to vector<2048x256xf32>
    %ge3A_315 = arith.cmpf oge, %add3A_313, %ge3A_314 : vector<2048x256xf32>
    %mul3A = arith.constant 0.00999999977 : f32
    %mul3A_316 = vector.broadcast %mul3A : f32 to vector<2048x256xf32>
    %mul3A_317 = arith.mulf %mul3A_316, %add3A_313 : vector<2048x256xf32>
    %select_n3A = arith.select %ge3A_315, %add3A_313, %mul3A_317 : vector<2048x256xi1>, vector<2048x256xf32>
    %get3A_318 = arith.constant 0 : index
    %get3A_319 = arith.constant 0 : index
    %get3A_320 = vector.load %arg6[%get3A_318, %get3A_319] : memref<256x256xf32, #tpu.memory_space<vmem>>, vector<256x256xf32>
    %dot_general3A_321 = arith.constant dense<0.000000e+00> : vector<2048x256xf32>
    %dot_general3A_322 = tpu.matmul %select_n3A, %get3A_320, %dot_general3A_321 {dimension_numbers = #tpu.dot_dimension_numbers<[1], [0], [0], [1], [0, 0, 1, 1], [], []>, transpose_lhs_hint = false} : vector<2048x256xf32>, vector<256x256xf32>, vector<2048x256xf32> -> vector<2048x256xf32>
    %get3A_323 = arith.constant 0 : index
    %get3A_324 = arith.constant 0 : index
    %get3A_325 = vector.load %arg7[%get3A_323, %get3A_324] : memref<1x256xf32, #tpu.memory_space<vmem>>, vector<1x256xf32>
    %add3A_326 = vector.broadcast %get3A_325 : vector<1x256xf32> to vector<2048x256xf32>
    %add3A_327 = arith.addf %dot_general3A_322, %add3A_326 : vector<2048x256xf32>
    %ge3A_328 = arith.constant 0.000000e+00 : f32
    %ge3A_329 = vector.broadcast %ge3A_328 : f32 to vector<2048x256xf32>
    %ge3A_330 = arith.cmpf oge, %add3A_327, %ge3A_329 : vector<2048x256xf32>
    %mul3A_331 = arith.constant 0.00999999977 : f32
    %mul3A_332 = vector.broadcast %mul3A_331 : f32 to vector<2048x256xf32>
    %mul3A_333 = arith.mulf %mul3A_332, %add3A_327 : vector<2048x256xf32>
    %select_n3A_334 = arith.select %ge3A_330, %add3A_327, %mul3A_333 : vector<2048x256xi1>, vector<2048x256xf32>
    %get3A_335 = arith.constant 0 : index
    %get3A_336 = arith.constant 0 : index
    %get3A_337 = vector.load %arg8[%get3A_335, %get3A_336] : memref<256x256xf32, #tpu.memory_space<vmem>>, vector<256x256xf32>
    %dot_general3A_338 = arith.constant dense<0.000000e+00> : vector<2048x256xf32>
    %dot_general3A_339 = tpu.matmul %select_n3A_334, %get3A_337, %dot_general3A_338 {dimension_numbers = #tpu.dot_dimension_numbers<[1], [0], [0], [1], [0, 0, 1, 1], [], []>, transpose_lhs_hint = false} : vector<2048x256xf32>, vector<256x256xf32>, vector<2048x256xf32> -> vector<2048x256xf32>
    %get3A_340 = arith.constant 0 : index
    %get3A_341 = arith.constant 0 : index
    %get3A_342 = vector.load %arg9[%get3A_340, %get3A_341] : memref<1x256xf32, #tpu.memory_space<vmem>>, vector<1x256xf32>
    %add3A_343 = vector.broadcast %get3A_342 : vector<1x256xf32> to vector<2048x256xf32>
    %add3A_344 = arith.addf %dot_general3A_339, %add3A_343 : vector<2048x256xf32>
    %swap3A = arith.constant 0 : index
    %swap3A_345 = arith.constant 0 : index
    %swap3A_346 = vector.load %arg10[%swap3A, %swap3A_345] : memref<2048x256xf32, #tpu.memory_space<vmem>>, vector<2048x256xf32>
    tpu.vector_store %arg10[%swap3A, %swap3A_345], %add3A_344 {strides = array<i32>} : memref<2048x256xf32, #tpu.memory_space<vmem>>, vector<2048x256xf32>,
    return
  }
  func.func @transform_0(%arg0: i32) -> (i32, i32) {
    %c0_i32 = arith.constant 0 : i32
    %c0_i32_0 = arith.constant 0 : i32
    return %arg0, %c0_i32 : i32, i32
  }
  func.func @transform_1(%arg0: i32) -> (i32, i32, i32, i32) {
    %c0_i32 = arith.constant 0 : i32
    %c0_i32_0 = arith.constant 0 : i32
    %c0_i32_1 = arith.constant 0 : i32
    %c0_i32_2 = arith.constant 0 : i32
    return %c0_i32, %c0_i32_0, %arg0, %c0_i32_1 : i32, i32, i32, i32
  }
  func.func @transform_2(%arg0: i32) -> (i32, i32) {
    %c0_i32 = arith.constant 0 : i32
    %c0_i32_0 = arith.constant 0 : i32
    %c0_i32_1 = arith.constant 0 : i32
    return %c0_i32, %c0_i32_0 : i32, i32
  }
  func.func @transform_3(%arg0: i32) -> (i32, i32) {
    %c0_i32 = arith.constant 0 : i32
    %c0_i32_0 = arith.constant 0 : i32
    %c0_i32_1 = arith.constant 0 : i32
    return %c0_i32, %c0_i32_0 : i32, i32
  }
  func.func @transform_4(%arg0: i32) -> (i32, i32) {
    %c0_i32 = arith.constant 0 : i32
    %c0_i32_0 = arith.constant 0 : i32
    %c0_i32_1 = arith.constant 0 : i32
    return %c0_i32, %c0_i32_0 : i32, i32
  }
  func.func @transform_5(%arg0: i32) -> (i32, i32) {
    %c0_i32 = arith.constant 0 : i32
    %c0_i32_0 = arith.constant 0 : i32
    %c0_i32_1 = arith.constant 0 : i32
    return %c0_i32, %c0_i32_0 : i32, i32
  }
  func.func @transform_6(%arg0: i32) -> (i32, i32) {
    %c0_i32 = arith.constant 0 : i32
    %c0_i32_0 = arith.constant 0 : i32
    %c0_i32_1 = arith.constant 0 : i32
    return %c0_i32, %c0_i32_0 : i32, i32
  }
  func.func @transform_7(%arg0: i32) -> (i32, i32) {
    %c0_i32 = arith.constant 0 : i32
    %c0_i32_0 = arith.constant 0 : i32
    %c0_i32_1 = arith.constant 0 : i32
    return %c0_i32, %c0_i32_0 : i32, i32
  }
  func.func @transform_8(%arg0: i32) -> (i32, i32) {
    %c0_i32 = arith.constant 0 : i32
    %c0_i32_0 = arith.constant 0 : i32
    %c0_i32_1 = arith.constant 0 : i32
    return %c0_i32, %c0_i32_0 : i32, i32
  }
  func.func @transform_9(%arg0: i32) -> (i32, i32) {
    %c0_i32 = arith.constant 0 : i32
    %c0_i32_0 = arith.constant 0 : i32
    return %arg0, %c0_i32 : i32, i32
  }
}

</mosaic_0001>

<sc_bundles>
// kernel: kernel.4.cloned.1.call-start
scs
__scs_entry_jumppad:
0x0: {  	(pc) =	sbr.rel $0x88, $3  }
0x1: {  	(tag) =	ssettag $0x0;
	lr =	simm.s32 $0x1  }
0x2: {  	[smem:$0x3F98] =	sst lr;
	_ =	strace $0xD0000000  }
0x3: {  	_ = 	snop  }
0x4: {  	_ = 	snop  }
0x5: {  	_ = 	snop  }
0x6: {  	_ = 	snop  }
0x7: {  	_ = 	snop  }
__scs_overlays_trampoline_lowered:
0x8: {  	[smem:$0x3FA7] =	sst s0  }
0x9: {  	[smem:$0x3FA8] =	sst s1  }
0xa: {  	[smem:$0x3FA9] =	sst s2  }
0xb: {  	[smem:$0x3FAA] =	sst s3  }
0xc: {  	[smem:$0x3FAB] =	sst s4  }
0xd: {  	[smem:$0x3FAC] =	sst s5  }
0xe: {  	[smem:$0x3FAD] =	sst s6  }
0xf: {  	[smem:$0x3FAE] =	sst s7  }
0x10: {  	[smem:$0x3FAF] =	sst s8  }
0x11: {  	[smem:$0x3FB0] =	sst s9;
	s0 =	simm.s32 @!p0 $0x0  }
0x12: {  	s1 =	sld [smem:$0x3F96];
	s0 =	simm.s32 @p0 $0x1  }
0x13: {  	[smem:$0x3FB1] =	sst s0;
	s0 =	simm.s32 @!p1 $0x0  }
0x14: {  	s2 =	sld [smem:$0x3F95];
	s0 =	simm.s32 @p1 $0x1  }
0x15: {  	[smem:$0x3FB2] =	sst s0;
	s0 =	simm.s32 @!p2 $0x0  }
0x16: {  	s3 =	sld [smem:$0x3FDB];
	s0 =	simm.s32 @p2 $0x1  }
0x17: {  	s4 =	simm.s32 $0x1BF5;
	[smem:$0x3FB4] =	sst s0  }
0x18: {  	s0 =	sld [smem:$0x3F97];
	_ =	swait.ge [sflag:s4], $0x0  }
0x19: {  	s7 =	sld [smem:$0x3F98]  }
0x1a: {  	s8 =	sadd.s32 $0xFFFFE003, lr  }
0x1b: {  	s9 =	sadd.s32 $0xFFFFFEF7, lr;
	s5 =	simm.s32 $0xFFFFFFFF;
	p2 =	slt.u32 s8, $0xFFFFF086  }
0x1c: {  	p1 =	slt.u32 s9, $0xF7A;
	s5 =	simm.s32 @!p2 $0x0  }
0x1d: {  	s5 =	simm.s32 @p1 $0x1;
	p0 =	seq.s32 s7, s2  }
0x1e: {  	s7 =	smul.u32 @!p0 $0xF7A, s2;
	p2 =	seq.s32 @!p0 s5, $0x0  }
0x1f: {  	s9 =	smul.u32 $0xF7A, s1;
	s8 =	simm.s32 @!p0 $0x1BF5;
	p2 =	por !p2, p0  }
0x20: {  	[sflag:s8] =	ssyncset.s32 @!p0 $0xFFFFF086;
	s6 =	sadd.s32 @!p0 s3, s7;
	s7 =	simm.s32 @!p0 $0x108  }
0x21: {  	s3 =	sadd.s32 s3, s9;
	s6 =	sadd.s32 @!p0 $0x88, s6;
	s7 =	simm.s32 @p2 $0x1082  }
0x22: {  	[simem:s7], [sflag:s8] =	dma.local @!p0 [hbm:s6], $0xF7A  }
0x23: {  	s9 =	sor.u32 $0xD0000000, s2;
	s6 =	simm.s32 $0x108;
	_ =	swait.ge @!p0 [sflag:s8], $0x0  }
0x24: {  	s3 =	sadd.s32 $0x88, s3;
	s6 =	simm.s32 @!p1 $0x1082;
	[sflag:s4] =	ssyncset.s32 $0xFFFFF086  }
0x25: {  	[simem:s6], [sflag:s4] =	dma.local [hbm:s3], $0xF7A  }
0x26: {  	[smem:$0x3F98] =	sst s1;
	(tag) =	ssettag s2;
	_ =	strace s9  }
0x27: {  	s1 =	sld [smem:$0x3FA8]  }
0x28: {  	s2 =	sld [smem:$0x3FA9]  }
0x29: {  	s4 =	sld [smem:$0x3FAB]  }
0x2a: {  	p0 =	seq.s32 s5, $0x0;
	s5 =	sld [smem:$0x3FAC]  }
0x2b: {  	s6 =	sld [smem:$0x3FAD]  }
0x2c: {  	s7 =	sld [smem:$0x3FAE]  }
0x2d: {  	s3 =	simm.s32 $0x108;
	s8 =	sld [smem:$0x3FAF]  }
0x2e: {  	s3 =	simm.s32 @!p0 $0x1082;
	s9 =	sld [smem:$0x3FB0]  }
0x2f: {  	lr =	sadd.s32 s0, s3;
	s0 =	sld [smem:$0x3FA7]  }
0x30: {  	s3 =	sld [smem:$0x3FAA]  }
0x31: {  	[smem:$0x3FB3] =	sst s10  }
0x32: {  	s10 =	sld [smem:$0x3FB1];
	_ =	sdelay $0x3  }
0x33: {  	p0 =	seq.s32 s10, $0x1;
	s10 =	sld [smem:$0x3FB3];
	_ =	sdelay $0x3  }
0x34: {  	[smem:$0x3FB3] =	sst s10  }
0x35: {  	s10 =	sld [smem:$0x3FB2];
	_ =	sdelay $0x3  }
0x36: {  	p1 =	seq.s32 s10, $0x1;
	s10 =	sld [smem:$0x3FB3];
	_ =	sdelay $0x3  }
0x37: {  	[smem:$0x3FB3] =	sst s10  }
0x38: {  	s10 =	sld [smem:$0x3FB4]  }
0x39: {  	_ = 	snop;
	(pc) =	sbr.ind lr, $3  }
0x3a: {  	_ = 	snop  }
0x3b: {  	_ = 	snop  }
0x3c: {  	p2 =	seq.s32 s10, $0x1;
	s10 =	sld [smem:$0x3FB3]  }
0x3d: {  	_ =	shalt  }
0x3e: {  	_ =	shalt  }
0x3f: {  	_ =	shalt  }
0x40: {  	_ =	shalt  }
0x41: {  	_ =	shalt  }
0x42: {  	_ =	shalt  }
0x43: {  	_ =	shalt  }
0x44: {  	_ =	shalt  }
0x45: {  	_ =	shalt  }
0x46: {  	_ =	shalt  }
0x47: {  	_ =	shalt  }
0x48: {  	_ =	shalt  }
0x49: {  	_ =	shalt  }
0x4a: {  	_ =	shalt  }
0x4b: {  	_ =	shalt  }
0x4c: {  	_ =	shalt  }
0x4d: {  	_ =	shalt  }
0x4e: {  	_ =	shalt  }
0x4f: {  	_ =	shalt  }
0x50: {  	_ =	shalt  }
0x51: {  	_ =	shalt  }
0x52: {  	_ =	shalt  }
0x53: {  	_ =	shalt  }
0x54: {  	_ =	shalt  }
0x55: {  	_ =	shalt  }
0x56: {  	_ =	shalt  }
0x57: {  	_ =	shalt  }
0x58: {  	_ =	shalt  }
0x59: {  	_ =	shalt  }
0x5a: {  	_ =	shalt  }
0x5b: {  	_ =	shalt  }
0x5c: {  	_ =	shalt  }
0x5d: {  	_ =	shalt  }
0x5e: {  	_ =	shalt  }
0x5f: {  	_ =	shalt  }
0x60: {  	_ =	shalt  }
0x61: {  	_ =	shalt  }
0x62: {  	_ =	shalt  }
0x63: {  	_ =	shalt  }
0x64: {  	_ =	shalt  }
0x65: {  	_ =	shalt  }
0x66: {  	_ =	shalt  }
0x67: {  	_ =	shalt  }
0x68: {  	_ =	shalt  }
0x69: {  	_ =	shalt  }
0x6a: {  	_ =	shalt  }
0x6b: {  	_ =	shalt  }
0x6c: {  	_ =	shalt  }
0x6d: {  	_ =	shalt  }
0x6e: {  	_ =	shalt  }
0x6f: {  	_ =	shalt  }
0x70: {  	_ =	shalt  }
0x71: {  	_ =	shalt  }
0x72: {  	_ =	shalt  }
0x73: {  	_ =	shalt  }
0x74: {  	_ =	shalt  }
0x75: {  	_ =	shalt  }
0x76: {  	_ =	shalt  }
0x77: {  	_ =	shalt  }
0x78: {  	_ =	shalt  }
0x79: {  	_ =	shalt  }
0x7a: {  	_ =	shalt  }
0x7b: {  	_ =	shalt  }
0x7c: {  	_ =	shalt  }
0x7d: {  	_ =	shalt  }
0x7e: {  	_ =	shalt  }
0x7f: {  	_ =	shalt  }
0x80: {  	_ =	shalt  }
0x81: {  	_ =	shalt  }
0x82: {  	_ =	shalt  }
0x83: {  	_ =	shalt  }
0x84: {  	_ =	shalt  }
0x85: {  	_ =	shalt  }
0x86: {  	_ =	shalt  }
0x87: {  	_ =	shalt  }
.Lfunc_end0:
.L_simem_size_0:
called_computation_lowered:
.L_overlay_start_0:
0x88: {  	s2 =	sld [smem:$0x3FD9]  }
0x89: {  	s3 =	sld [smem:$0x3FFE];
	_ =	sdelay $0x1  }
0x8a: {  	s1 =	srdreg.scid  }
0x8b: {  	s0 =	sand.u32 $0x1, s1  }
0x8c: {  	s17 =	sshll.u32 s0, $0xA;
	s2 =	sadd.s32 s3, s2  }
0x8d: {  	s2 =	sadd.s32 s2, s17  }
0x8e: {  	[smem:$0x3FBF] =	sst s2  }
0x8f: {  	_ = 	snop  }
0x90: {  	s2 =	sld [smem:$0x3FC7]  }
0x91: {  	s18 =	sld [smem:$0x3FD0];
	(tm) =	ssettm $0x1  }
0x92: {  	s4 =	sld [smem:$0x3FFB];
	_ =	sdelay $0x3  }
0x93: {  	_ =	strace s4  }
0x94: {  	s4 =	sld [smem:$0x3FFC];
	_ =	sdelay $0x3  }
0x95: {  	_ =	strace s4  }
0x96: {  	s4 =	sld [smem:$0x3FFD];
	_ =	sdelay $0x3  }
0x97: {  	_ =	strace s4  }
0x98: {  	_ =	strace $0x8FFFFFFF  }
0x99: {  	s19 =	sld [smem:$0x3FDB];
	_ =	sdelay $0x1  }
0x9a: {  	s5 =	simm.s32 $_scs_section_size  }
0x9b: {  	s6 =	simm.s32 $_size__tile_overlayer_lowered;
	s7 =	simm.s32 $_tile_overlayer_lowered  }
0x9c: {  	s22 =	simm.s32 $0x1BFF;
	s21 =	sshll.u32 s7, $0x1;
	s4 =	sadd.s32 s5, s19  }
0x9d: {  	s8 =	simm.s32 $0x0;
	s20 =	sshll.u32 s6, $0x1;
	s6 =	sadd.s32 s21, s4  }
0x9e: {  	[timem:s8], [sflag:s22] =	dma.local [hbm:s6], s20  }
0x9f: {  	_ =	swait.ge [sflag:s22], s20  }
0xa0: {  	s5 =	ssub.s32 $0x0, s20;
	[sflag:s22] =	ssyncset.done $0x0  }
0xa1: {  	[sflag:s22] =	ssyncadd.s32 s5;
	_ =	sdelay $0x1  }
0xa2: {  	s23 =	simm.s32 $0x1B8B  }
0xa3: {  	_ =	swait.ge [sflag:s23], $0x1  }
0xa4: {  	[sflag:s23] =	ssyncset.done $0x0  }
0xa5: {  	s25 =	simm.s32 $0x1B8E;
	s24 =	sld [smem:$0x3FFE];
	[sflag:s23] =	ssyncadd.s32 $0xFFFFFFFF  }
0xa6: {  	s26 =	simm.s32 $execute0_lowered;
	[smem:$0x3FD2] =	sst s25  }
0xa7: {  	s6 =	sshll.u32 s26, $0x1;
	_ =	strace $0x80000046;
	[dreg:$0x1] =	wrdreg $0xFFFFFFFF  }
0xa8: {  	s28 =	simm.s32 $_size_execute0_lowered;
	s4 =	sadd.s32 s4, s6;
	[dreg:$0x0] =	wrdreg $0x0  }
0xa9: {  	s6 =	sshll.u32 s28, $0x1;
	[dreg:$0x2] =	wrdreg s4  }
0xaa: {  	[dreg:$0x3] =	wrdreg s6  }
0xab: {  	[dreg:$0x4] =	wrdreg $0xC0  }
0xac: {  	_ =	task [dreg:s8], $0x5FFFF  }
0xad: {  	[dreg:$0x1] =	wrdreg $0xFFFFFFFF  }
0xae: {  	[dreg:$0x0] =	wrdreg $0x60  }
0xaf: {  	[dreg:$0x2] =	wrdreg s24  }
0xb0: {  	[dreg:$0x3] =	wrdreg s2  }
0xb1: {  	[dreg:$0x4] =	wrdreg s18  }
0xb2: {  	[dreg:$0x5] =	wrdreg $0x9  }
0xb3: {  	_ =	task.clear_ibuf [dreg:s8], $0x6FFFF;
	_ =	strace $0x90000046  }
0xb4: {  	s29 =	simm.s32 $0x9;
	_ =	strace $0x80000048  }
0xb5: {  	_ =	swait.ge [sflag:s29], $0x1  }
0xb6: {  	[sflag:s29] =	ssyncadd.s32 $0xFFFFFFFF  }
0xb7: {  	_ =	strace $0x90000048  }
0xb8: {  	_ =	sfence  }
0xb9: {  	s30 =	sld [smem:$0x0];
	_ =	sdelay $0x2  }
0xba: {  	s31 =	sshll.u32 s1, $0xD;
	s1 =	sshrl.u32 s1, $0x2  }
0xbb: {  	s3 =	sand.u32 $0x4000, s31;
	s1 =	sadd.s32 s1, s30  }
0xbc: {  	s0 =	sor.u32 s3, s0;
	s1 =	sshll.u32 s1, $0x11  }
0xbd: {  	s0 =	sor.u32 s1, s0  }
0xbe: {  	s0 =	sadd.s32 $0x8F2B, s0  }
0xbf: {  	[sflag:s0] =	ssyncadd.remote.s32 $0x1  }
0xc0: {  	_ =	sfence.sel $0xFFFF  }
0xc1: {  	[dreg:$0x0] =	wrdreg $0xFFFFFFFF;
	(pc) =	sbr.abs _section_cstart, $3  }
0xc2: {  	[dreg:$0x1] =	wrdreg $0xFFFFFFFF  }
0xc3: {  	_ =	task.clear_ibuf [dreg:s8], $0x2FFFF;
	_ =	strace $0x9FFFFFFF  }
0xc4: {  	(tm) =	ssettm $0x7FFFFFFF  }
0xc5: {  	_ =	shalt  }
tec
execute0_lowered:
.L_overlay_start_1:
0x0: {  	(tag) =	ssettag $0x1  }
0x1: {  	s0 =	rddreg [dreg:$0x0]  }
0x2: {  	s12 =	rddreg [dreg:$0x1]  }
0x3: {  	s13 =	rddreg [dreg:$0x2]  }
0x4: {  	s3 =	srdreg.scid;
	s2 =	simm.s32 $0x0;
	s1 =	stileid.u32  }
0x5: {  	s19 =	simm.s32 $0x3E80;
	s20 =	simm.s32 $0xBB80;
	s10 =	sand.u32 $0x1, s3  }
0x6: {  	s28 =	simm.s32 $0x0;
	s21 =	sshrl.u32 s1, $0x3;
	s9 =	smul.u32 $0x271, s10  }
0x7: {  	[smem:$0x7FF] =	sst s2;
	s0 =	sadd.s32 $0x1E00, s0;
	s11 =	smul.u32 $0x138800, s21  }
0x8: {  	s7 =	sshll.u32 s1, $0x7;
	_ =	strace $0x80000047;
	s4 =	smul.u32 $0x9C400, s10  }
0x9: {  	s22 =	ssub.s32 $0x2, s10;
	s6 =	smul.u32 $0x4E20, s10;
	s15 =	sand.u32 $0x380, s7  }
0xa: {  	s10 =	sshll.u32 s10, $0x4;
	s21 =	simm.s32 $0x1;
	s5 =	sshrl.u32 s22, $0x1  }
0xb: {  	s10 =	sor.u32 s1, s10;
	s14 =	ssub.s32 s22, s5;
	s4 =	sadd.s32 s4, s11  }
0xc: {  	s3 =	sadd.s32 s0, s6;
	s23 =	sadd.s32 $0x7D, s9;
	s25 =	sadd.s32 $0xFA, s9  }
0xd: {  	s16 =	sadd.s32 $0x177, s9;
	s18 =	sadd.s32 $0x1F4, s9;
	s31 =	smul.u32 $0x500, s10  }
0xe: {  	s22 =	simm.s32 $0x2;
	s4 =	sor.u32 s15, s4;
	s24 =	sshll.u32 s23, $0xA  }
0xf: {  	s8 =	sshll.u32 s25, $0xA;
	s5 =	sshll.u32 s23, $0x5;
	s7 =	sshll.u32 s25, $0x5  }
0x10: {  	s17 =	sshll.u32 s16, $0x5;
	s16 =	sshll.u32 s16, $0xA;
	s26 =	sshll.u32 s18, $0xA  }
0x11: {  	s29 =	sshll.u32 s18, $0x5;
	s14 =	smax.u32 s14, $0x1;
	s18 =	simm.s32 $0x7D00  }
0x12: {  	s23 =	simm.s32 $0xFA00;
	s25 =	simm.s32 $0x4;
	s4 =	sshrl.u32 s4, $0x3  }
0x13: {  	s6 =	sadd.s32 s11, s24;
	s8 =	sadd.s32 s11, s8;
	s5 =	sadd.s32 s0, s5  }
0x14: {  	s7 =	sadd.s32 s0, s7;
	s9 =	sadd.s32 s0, s17;
	s16 =	sadd.s32 s11, s16  }
0x15: {  	s11 =	sadd.s32 s11, s26;
	s13 =	sadd.s32 s13, s31;
	s17 =	simm.s32 $0x400  }
0x16: {  	s24 =	simm.s32 $0x3;
	s26 =	simm.s32 $0x5;
	s4 =	sadd.s32 s12, s4  }
0x17: {  	s6 =	sor.u32 s15, s6;
	s8 =	sor.u32 s15, s8;
	s16 =	sor.u32 s15, s16  }
0x18: {  	s11 =	sor.u32 s15, s11;
	s15 =	simm.s32 $0x80;
	s6 =	sshrl.u32 s6, $0x3  }
0x19: {  	s8 =	sshrl.u32 s8, $0x3;
	s16 =	sshrl.u32 s16, $0x3;
	s30 =	sshrl.u32 s11, $0x3  }
0x1a: {  	s11 =	sadd.s32 s0, s29;
	s6 =	sadd.s32 s12, s6;
	s8 =	sadd.s32 s12, s8  }
0x1b: {  	v0 =	vimm.f32 $0.0e+00;
	s10 =	sadd.s32 s12, s16;
	s12 =	sadd.s32 s12, s30;
	s16 =	simm.s32 $0x100  }
.LBB2_1:
0x1c: {  	[tilespmem:s2], [sflag:$0x1] =	stream.strided.gather [hbm4b:s3+s15], $0x3E80, s16, s15, $0x38;
	[tilespmem:$0x12200] =	vst v63  }
0x1d: {  	s0 =	simm.s32 $0xFA40  }
0x1e: {  	[tilespmem:s18], [sflag:$0x2] =	stream.strided.gather [hbm4b:s4+s15], $0x3E80, s17, s15, $0x38;
	[tilespmem:$0x12200] =	vst v63  }
0x1f: {  	[tilespmem:s0+$0xFFFFFFC0] =	vst v0  }
0x20: {  	[tilespmem:s0+$0x30] =	vst v0  }
0x21: {  	[tilespmem:s0+$0x20] =	vst v0  }
0x22: {  	[tilespmem:s0+$0x10] =	vst v0  }
0x23: {  	[tilespmem:s0+$0x0] =	vst v0  }
0x24: {  	[tilespmem:s0+$0xFFFFFFF0] =	vst v0  }
0x25: {  	s29 =	simm.s32 $0x0;
	[tilespmem:s0+$0xFFFFFFE0] =	vst v0  }
.LBB2_2:
0x26: {  	s29 =	sadd.s32 $0x8, s29;
	[tilespmem:s0+$0xFFFFFFD0] =	vst v0;
	s0 =	sadd.s32 $0x80, s0  }
0x27: {  	[tilespmem:s0+$0xFFFFFFC0] =	vst v0;
	p0 =	slt.u32 s29, $0x278  }
0x28: {  	[tilespmem:s0+$0x30] =	vst v0  }
.Ltmp0:
0x29: {  	[tilespmem:s0+$0x20] =	vst v0;
	(pc) =	sbr.rel @p0 .LBB2_2-.Ltmp0, $4  }
0x2a: {  	[tilespmem:s0+$0x10] =	vst v0  }
0x2b: {  	[tilespmem:s0+$0x0] =	vst v0  }
0x2c: {  	[tilespmem:s0+$0xFFFFFFF0] =	vst v0  }
0x2d: {  	[tilespmem:s0+$0xFFFFFFE0] =	vst v0  }
0x2e: {  	[tilespmem:s0+$0xFFFFFFD0] =	vst v0;
	s0 =	simm.s32 $0x80  }
0x2f: {  	[tilespmem:s19], [sflag:$0x3] =	stream.strided.gather [hbm4b:s5+s0], $0x3E80, s16, s0, $0x38;
	[tilespmem:$0x12200] =	vst v63  }
0x30: {  	_ = 	snop  }
0x31: {  	[tilespmem:s20], [sflag:$0x4] =	stream.strided.gather [hbm4b:s6+s0], $0x3E80, s17, s0, $0x38;
	[tilespmem:$0x12200] =	vst v63  }
0x32: {  	_ =	swait.ge [sflag:s21], $0x3E80  }
0x33: {  	[sflag:s21] =	ssyncset.done $0x0  }
0x34: {  	[sflag:s21] =	ssyncadd.s32 $0xFFFFC180  }
0x35: {  	_ =	swait.ge [sflag:s22], $0x3E80  }
0x36: {  	[sflag:s22] =	ssyncset.done $0x0  }
0x37: {  	[sflag:s22] =	ssyncadd.s32 $0xFFFFC180  }
0x38: {  	v1 =	vld [tilespmem:s0+$0x70]  }
0x39: {  	v2 =	vld [tilespmem:s0+$0xFFFFFF90]  }
0x3a: {  	s29 =	simm.s32 $0x7D80;
	v3 =	vld [tilespmem:s0+$0xFFFFFFA0]  }
0x3b: {  	v4 =	vld [tilespmem:s29+$0x70]  }
0x3c: {  	v5 =	vld [tilespmem:s0+$0xFFFFFFB0]  }
0x3d: {  	v6 =	vld [tilespmem:s0+$0xFFFFFFC0]  }
0x3e: {  	v7 =	vld [tilespmem:s0+$0xFFFFFFD0]  }
0x3f: {  	v8 =	vld [tilespmem:s0+$0xFFFFFFE0]  }
0x40: {  	v63 =	vld [tilespmem:s0+$0x0]  }
0x41: {  	v9 =	vld [tilespmem:s0+$0x10]  }
0x42: {  	v10 =	vld [tilespmem:s0+$0x20]  }
0x43: {  	v11 =	vld [tilespmem:s0+$0x30]  }
0x44: {  	v12 =	vld [tilespmem:s0+$0x40]  }
0x45: {  	v13 =	vld [tilespmem:s0+$0x50]  }
0x46: {  	v14 =	vld [tilespmem:s0+$0x60]  }
0x47: {  	v15 =	vld [tilespmem:s0+$0xFFFFFF80]  }
0x48: {  	v16 =	vld [tilespmem:s29+$0xFFFFFF80]  }
0x49: {  	v17 =	vld [tilespmem:s29+$0xFFFFFF90]  }
0x4a: {  	v18 =	vld [tilespmem:s29+$0xFFFFFFA0]  }
0x4b: {  	v19 =	vld [tilespmem:s29+$0xFFFFFFB0]  }
0x4c: {  	v20 =	vld [tilespmem:s29+$0xFFFFFFC0]  }
0x4d: {  	v21 =	vld [tilespmem:s29+$0xFFFFFFD0]  }
0x4e: {  	v22 =	vld [tilespmem:s29+$0xFFFFFFE0]  }
0x4f: {  	v23 =	vld [tilespmem:s29+$0xFFFFFFF0]  }
0x50: {  	v24 =	vld [tilespmem:s29+$0x0]  }
0x51: {  	v25 =	vld [tilespmem:s29+$0x10]  }
0x52: {  	v26 =	vld [tilespmem:s29+$0x20]  }
0x53: {  	v27 =	vld [tilespmem:s29+$0x30]  }
0x54: {  	v28 =	vld [tilespmem:s29+$0x40]  }
0x55: {  	v29 =	vld [tilespmem:s29+$0x50]  }
0x56: {  	v30 =	vld [tilespmem:s29+$0x60]  }
0x57: {  	[tilespmem:v1+s23+$0x0] =	vst.idx.add.f32.msk $0xffff, v4  }
0x58: {  	v1 =	vld [tilespmem:s0+$0xFFFFFFF0]  }
0x59: {  	[tilespmem:v15+s23+$0x0] =	vst.idx.add.f32.msk $0xffff, v16  }
0x5a: {  	[tilespmem:v2+s23+$0x0] =	vst.idx.add.f32.msk $0xffff, v17  }
0x5b: {  	[tilespmem:v3+s23+$0x0] =	vst.idx.add.f32.msk $0xffff, v18  }
0x5c: {  	[tilespmem:v5+s23+$0x0] =	vst.idx.add.f32.msk $0xffff, v19  }
0x5d: {  	[tilespmem:v6+s23+$0x0] =	vst.idx.add.f32.msk $0xffff, v20  }
0x5e: {  	[tilespmem:v7+s23+$0x0] =	vst.idx.add.f32.msk $0xffff, v21  }
0x5f: {  	[tilespmem:v8+s23+$0x0] =	vst.idx.add.f32.msk $0xffff, v22  }
0x60: {  	[tilespmem:v63+s23+$0x0] =	vst.idx.add.f32.msk $0xffff, v24  }
0x61: {  	[tilespmem:v9+s23+$0x0] =	vst.idx.add.f32.msk $0xffff, v25  }
0x62: {  	[tilespmem:v10+s23+$0x0] =	vst.idx.add.f32.msk $0xffff, v26  }
0x63: {  	[tilespmem:v11+s23+$0x0] =	vst.idx.add.f32.msk $0xffff, v27  }
0x64: {  	[tilespmem:v12+s23+$0x0] =	vst.idx.add.f32.msk $0xffff, v28  }
0x65: {  	[tilespmem:v13+s23+$0x0] =	vst.idx.add.f32.msk $0xffff, v29  }
0x66: {  	[tilespmem:v14+s23+$0x0] =	vst.idx.add.f32.msk $0xffff, v30  }
0x67: {  	s30 =	simm.s32 $0x0;
	s31 =	simm.s32 $0x180;
	[tilespmem:v1+s23+$0x0] =	vst.idx.add.f32.msk $0xffff, v23  }
.LBB2_4:
0x68: {  	v1 =	vld [tilespmem:s31+$0x70];
	s30 =	sadd.s32 $0x10, s30  }
0x69: {  	v2 =	vld [tilespmem:s31+$0xFFFFFF90];
	p0 =	slt.u32 s30, $0x3D0  }
0x6a: {  	s29 =	sadd.s32 $0x100, s29;
	v3 =	vld [tilespmem:s31+$0xFFFFFFA0]  }
0x6b: {  	v4 =	vld [tilespmem:s29+$0x70]  }
0x6c: {  	v5 =	vld [tilespmem:s31+$0xFFFFFFB0]  }
0x6d: {  	v6 =	vld [tilespmem:s31+$0xFFFFFFC0]  }
0x6e: {  	v7 =	vld [tilespmem:s31+$0xFFFFFFD0]  }
0x6f: {  	v8 =	vld [tilespmem:s31+$0xFFFFFFE0]  }
0x70: {  	s0 =	simm.s32 $0x0;
	[tilespmem:v1+s23+$0x0] =	vst.idx.add.f32.msk $0xffff, v4  }
0x71: {  	v1 =	vld [tilespmem:s31+$0xFFFFFFF0]  }
0x72: {  	v4 =	vld [tilespmem:s31+$0x0]  }
0x73: {  	v9 =	vld [tilespmem:s31+$0x10]  }
0x74: {  	v10 =	vld [tilespmem:s31+$0x20]  }
0x75: {  	v11 =	vld [tilespmem:s31+$0x30]  }
0x76: {  	v12 =	vld [tilespmem:s31+$0x40]  }
0x77: {  	v13 =	vld [tilespmem:s31+$0x50]  }
0x78: {  	v14 =	vld [tilespmem:s31+$0x60]  }
0x79: {  	v15 =	vld [tilespmem:s31+$0xFFFFFF80]  }
0x7a: {  	v16 =	vld [tilespmem:s29+$0xFFFFFF80]  }
0x7b: {  	v17 =	vld [tilespmem:s29+$0xFFFFFF90]  }
0x7c: {  	v18 =	vld [tilespmem:s29+$0xFFFFFFA0]  }
0x7d: {  	v19 =	vld [tilespmem:s29+$0xFFFFFFB0]  }
0x7e: {  	v20 =	vld [tilespmem:s29+$0xFFFFFFC0]  }
0x7f: {  	v21 =	vld [tilespmem:s29+$0xFFFFFFD0]  }
0x80: {  	v22 =	vld [tilespmem:s29+$0xFFFFFFE0]  }
0x81: {  	v23 =	vld [tilespmem:s29+$0xFFFFFFF0]  }
0x82: {  	v24 =	vld [tilespmem:s29+$0x0]  }
0x83: {  	v25 =	vld [tilespmem:s29+$0x10]  }
0x84: {  	v26 =	vld [tilespmem:s29+$0x20]  }
0x85: {  	v27 =	vld [tilespmem:s29+$0x30]  }
0x86: {  	v28 =	vld [tilespmem:s29+$0x40]  }
0x87: {  	v29 =	vld [tilespmem:s29+$0x50]  }
0x88: {  	v30 =	vld [tilespmem:s29+$0x60]  }
0x89: {  	[tilespmem:v15+s23+$0x0] =	vst.idx.add.f32.msk $0xffff, v16  }
0x8a: {  	[tilespmem:v2+s23+$0x0] =	vst.idx.add.f32.msk $0xffff, v17  }
0x8b: {  	[tilespmem:v3+s23+$0x0] =	vst.idx.add.f32.msk $0xffff, v18  }
0x8c: {  	[tilespmem:v5+s23+$0x0] =	vst.idx.add.f32.msk $0xffff, v19  }
0x8d: {  	[tilespmem:v6+s23+$0x0] =	vst.idx.add.f32.msk $0xffff, v20  }
0x8e: {  	[tilespmem:v7+s23+$0x0] =	vst.idx.add.f32.msk $0xffff, v21  }
0x8f: {  	[tilespmem:v8+s23+$0x0] =	vst.idx.add.f32.msk $0xffff, v22  }
0x90: {  	[tilespmem:v1+s23+$0x0] =	vst.idx.add.f32.msk $0xffff, v23  }
0x91: {  	[tilespmem:v4+s23+$0x0] =	vst.idx.add.f32.msk $0xffff, v24  }
0x92: {  	[tilespmem:v9+s23+$0x0] =	vst.idx.add.f32.msk $0xffff, v25  }
.Ltmp1:
0x93: {  	[tilespmem:v10+s23+$0x0] =	vst.idx.add.f32.msk $0xffff, v26;
	(pc) =	sbr.rel @p0 .LBB2_4-.Ltmp1, $4  }
0x94: {  	[tilespmem:v11+s23+$0x0] =	vst.idx.add.f32.msk $0xffff, v27  }
0x95: {  	[tilespmem:v12+s23+$0x0] =	vst.idx.add.f32.msk $0xffff, v28  }
0x96: {  	[tilespmem:v13+s23+$0x0] =	vst.idx.add.f32.msk $0xffff, v29  }
0x97: {  	s31 =	sadd.s32 $0x100, s31;
	[tilespmem:v14+s23+$0x0] =	vst.idx.add.f32.msk $0xffff, v30  }
.LBB2_5:
0x98: {  	s29 =	sshra.s32 s0, $0x2  }
0x99: {  	v1 =	vld [tilespmem:s29+$0x3E00];
	_ =	sdelay $0x2  }
0x9a: {  	p0 =	sne.s32 s0, $0x1C0;
	v2 =	vld [tilespmem:s29+$0xBB00]  }
.Ltmp2:
0x9b: {  	_ = 	snop;
	(pc) =	sbr.rel @p0 .LBB2_5-.Ltmp2, $2  }
0x9c: {  	_ =	sdelay $0x2  }
0x9d: {  	s0 =	sadd.s32 $0x40, s0;
	[tilespmem:v1+s23+$0x0] =	vst.idx.add.f32.msk $0xffff, v2  }
0x9e: {  	[tilespmem:s2], [sflag:$0x1] =	stream.strided.gather [hbm4b:s7+s15], $0x3E80, s16, s15, $0x38;
	[tilespmem:$0x12200] =	vst v63  }
0x9f: {  	_ = 	snop  }
0xa0: {  	[tilespmem:s18], [sflag:$0x2] =	stream.strided.gather [hbm4b:s8+s15], $0x3E80, s17, s15, $0x38;
	[tilespmem:$0x12200] =	vst v63  }
0xa1: {  	_ =	swait.ge [sflag:s24], $0x3E80  }
0xa2: {  	[sflag:s24] =	ssyncset.done $0x0  }
0xa3: {  	[sflag:s24] =	ssyncadd.s32 $0xFFFFC180  }
0xa4: {  	_ =	swait.ge [sflag:s25], $0x3E80  }
0xa5: {  	[sflag:s25] =	ssyncset.done $0x0  }
0xa6: {  	s0 =	simm.s32 $0x3F00;
	[sflag:s25] =	ssyncadd.s32 $0xFFFFC180  }
0xa7: {  	v1 =	vld [tilespmem:s0+$0x70]  }
0xa8: {  	v2 =	vld [tilespmem:s0+$0xFFFFFF90]  }
0xa9: {  	s29 =	simm.s32 $0xBC00;
	v3 =	vld [tilespmem:s0+$0xFFFFFFA0]  }
0xaa: {  	v4 =	vld [tilespmem:s29+$0x70]  }
0xab: {  	v5 =	vld [tilespmem:s0+$0xFFFFFFB0]  }
0xac: {  	v6 =	vld [tilespmem:s0+$0xFFFFFFC0]  }
0xad: {  	v7 =	vld [tilespmem:s0+$0xFFFFFFD0]  }
0xae: {  	v8 =	vld [tilespmem:s0+$0xFFFFFFE0]  }
0xaf: {  	v63 =	vld [tilespmem:s0+$0x0]  }
0xb0: {  	v9 =	vld [tilespmem:s0+$0x10]  }
0xb1: {  	v10 =	vld [tilespmem:s0+$0x20]  }
0xb2: {  	v11 =	vld [tilespmem:s0+$0x30]  }
0xb3: {  	v12 =	vld [tilespmem:s0+$0x40]  }
0xb4: {  	v13 =	vld [tilespmem:s0+$0x50]  }
0xb5: {  	v14 =	vld [tilespmem:s0+$0x60]  }
0xb6: {  	v15 =	vld [tilespmem:s0+$0xFFFFFF80]  }
0xb7: {  	v16 =	vld [tilespmem:s29+$0xFFFFFF80]  }
0xb8: {  	v17 =	vld [tilespmem:s29+$0xFFFFFF90]  }
0xb9: {  	v18 =	vld [tilespmem:s29+$0xFFFFFFA0]  }
0xba: {  	v19 =	vld [tilespmem:s29+$0xFFFFFFB0]  }
0xbb: {  	v20 =	vld [tilespmem:s29+$0xFFFFFFC0]  }
0xbc: {  	v21 =	vld [tilespmem:s29+$0xFFFFFFD0]  }
0xbd: {  	v22 =	vld [tilespmem:s29+$0xFFFFFFE0]  }
0xbe: {  	v23 =	vld [tilespmem:s29+$0xFFFFFFF0]  }
0xbf: {  	v24 =	vld [tilespmem:s29+$0x0]  }
0xc0: {  	v25 =	vld [tilespmem:s29+$0x10]  }
0xc1: {  	v26 =	vld [tilespmem:s29+$0x20]  }
0xc2: {  	v27 =	vld [tilespmem:s29+$0x30]  }
0xc3: {  	v28 =	vld [tilespmem:s29+$0x40]  }
0xc4: {  	v29 =	vld [tilespmem:s29+$0x50]  }
0xc5: {  	v30 =	vld [tilespmem:s29+$0x60]  }
0xc6: {  	[tilespmem:v1+s23+$0x0] =	vst.idx.add.f32.msk $0xffff, v4  }
0xc7: {  	v1 =	vld [tilespmem:s0+$0xFFFFFFF0]  }
0xc8: {  	[tilespmem:v15+s23+$0x0] =	vst.idx.add.f32.msk $0xffff, v16  }
0xc9: {  	[tilespmem:v2+s23+$0x0] =	vst.idx.add.f32.msk $0xffff, v17  }
0xca: {  	[tilespmem:v3+s23+$0x0] =	vst.idx.add.f32.msk $0xffff, v18  }
0xcb: {  	[tilespmem:v5+s23+$0x0] =	vst.idx.add.f32.msk $0xffff, v19  }
0xcc: {  	[tilespmem:v6+s23+$0x0] =	vst.idx.add.f32.msk $0xffff, v20  }
0xcd: {  	[tilespmem:v7+s23+$0x0] =	vst.idx.add.f32.msk $0xffff, v21  }
0xce: {  	[tilespmem:v8+s23+$0x0] =	vst.idx.add.f32.msk $0xffff, v22  }
0xcf: {  	[tilespmem:v63+s23+$0x0] =	vst.idx.add.f32.msk $0xffff, v24  }
0xd0: {  	[tilespmem:v9+s23+$0x0] =	vst.idx.add.f32.msk $0xffff, v25  }
0xd1: {  	[tilespmem:v10+s23+$0x0] =	vst.idx.add.f32.msk $0xffff, v26  }
0xd2: {  	[tilespmem:v11+s23+$0x0] =	vst.idx.add.f32.msk $0xffff, v27  }
0xd3: {  	[tilespmem:v12+s23+$0x0] =	vst.idx.add.f32.msk $0xffff, v28  }
0xd4: {  	[tilespmem:v13+s23+$0x0] =	vst.idx.add.f32.msk $0xffff, v29  }
0xd5: {  	[tilespmem:v14+s23+$0x0] =	vst.idx.add.f32.msk $0xffff, v30  }
0xd6: {  	s30 =	simm.s32 $0x0;
	s31 =	simm.s32 $0x4000;
	[tilespmem:v1+s23+$0x0] =	vst.idx.add.f32.msk $0xffff, v23  }
.LBB2_7:
0xd7: {  	v1 =	vld [tilespmem:s31+$0x70];
	s30 =	sadd.s32 $0x10, s30  }
0xd8: {  	v2 =	vld [tilespmem:s31+$0xFFFFFF90];
	p0 =	slt.u32 s30, $0x3D0  }
0xd9: {  	s29 =	sadd.s32 $0x100, s29;
	v3 =	vld [tilespmem:s31+$0xFFFFFFA0]  }
0xda: {  	v4 =	vld [tilespmem:s29+$0x70]  }
0xdb: {  	v5 =	vld [tilespmem:s31+$0xFFFFFFB0]  }
0xdc: {  	v6 =	vld [tilespmem:s31+$0xFFFFFFC0]  }
0xdd: {  	v7 =	vld [tilespmem:s31+$0xFFFFFFD0]  }
0xde: {  	v8 =	vld [tilespmem:s31+$0xFFFFFFE0]  }
0xdf: {  	s0 =	simm.s32 $0x0;
	[tilespmem:v1+s23+$0x0] =	vst.idx.add.f32.msk $0xffff, v4  }
0xe0: {  	v1 =	vld [tilespmem:s31+$0xFFFFFFF0]  }
0xe1: {  	v4 =	vld [tilespmem:s31+$0x0]  }
0xe2: {  	v9 =	vld [tilespmem:s31+$0x10]  }
0xe3: {  	v10 =	vld [tilespmem:s31+$0x20]  }
0xe4: {  	v11 =	vld [tilespmem:s31+$0x30]  }
0xe5: {  	v12 =	vld [tilespmem:s31+$0x40]  }
0xe6: {  	v13 =	vld [tilespmem:s31+$0x50]  }
0xe7: {  	v14 =	vld [tilespmem:s31+$0x60]  }
0xe8: {  	v15 =	vld [tilespmem:s31+$0xFFFFFF80]  }
0xe9: {  	v16 =	vld [tilespmem:s29+$0xFFFFFF80]  }
0xea: {  	v17 =	vld [tilespmem:s29+$0xFFFFFF90]  }
0xeb: {  	v18 =	vld [tilespmem:s29+$0xFFFFFFA0]  }
0xec: {  	v19 =	vld [tilespmem:s29+$0xFFFFFFB0]  }
0xed: {  	v20 =	vld [tilespmem:s29+$0xFFFFFFC0]  }
0xee: {  	v21 =	vld [tilespmem:s29+$0xFFFFFFD0]  }
0xef: {  	v22 =	vld [tilespmem:s29+$0xFFFFFFE0]  }
0xf0: {  	v23 =	vld [tilespmem:s29+$0xFFFFFFF0]  }
0xf1: {  	v24 =	vld [tilespmem:s29+$0x0]  }
0xf2: {  	v25 =	vld [tilespmem:s29+$0x10]  }
0xf3: {  	v26 =	vld [tilespmem:s29+$0x20]  }
0xf4: {  	v27 =	vld [tilespmem:s29+$0x30]  }
0xf5: {  	v28 =	vld [tilespmem:s29+$0x40]  }
0xf6: {  	v29 =	vld [tilespmem:s29+$0x50]  }
0xf7: {  	v30 =	vld [tilespmem:s29+$0x60]  }
0xf8: {  	[tilespmem:v15+s23+$0x0] =	vst.idx.add.f32.msk $0xffff, v16  }
0xf9: {  	[tilespmem:v2+s23+$0x0] =	vst.idx.add.f32.msk $0xffff, v17  }
0xfa: {  	[tilespmem:v3+s23+$0x0] =	vst.idx.add.f32.msk $0xffff, v18  }
0xfb: {  	[tilespmem:v5+s23+$0x0] =	vst.idx.add.f32.msk $0xffff, v19  }
0xfc: {  	[tilespmem:v6+s23+$0x0] =	vst.idx.add.f32.msk $0xffff, v20  }
0xfd: {  	[tilespmem:v7+s23+$0x0] =	vst.idx.add.f32.msk $0xffff, v21  }
0xfe: {  	[tilespmem:v8+s23+$0x0] =	vst.idx.add.f32.msk $0xffff, v22  }
0xff: {  	[tilespmem:v1+s23+$0x0] =	vst.idx.add.f32.msk $0xffff, v23  }
0x100: {  	[tilespmem:v4+s23+$0x0] =	vst.idx.add.f32.msk $0xffff, v24  }
0x101: {  	[tilespmem:v9+s23+$0x0] =	vst.idx.add.f32.msk $0xffff, v25  }
.Ltmp3:
0x102: {  	[tilespmem:v10+s23+$0x0] =	vst.idx.add.f32.msk $0xffff, v26;
	(pc) =	sbr.rel @p0 .LBB2_7-.Ltmp3, $4  }
0x103: {  	[tilespmem:v11+s23+$0x0] =	vst.idx.add.f32.msk $0xffff, v27  }
0x104: {  	[tilespmem:v12+s23+$0x0] =	vst.idx.add.f32.msk $0xffff, v28  }
0x105: {  	[tilespmem:v13+s23+$0x0] =	vst.idx.add.f32.msk $0xffff, v29  }
0x106: {  	s31 =	sadd.s32 $0x100, s31;
	[tilespmem:v14+s23+$0x0] =	vst.idx.add.f32.msk $0xffff, v30  }
.LBB2_8:
0x107: {  	s29 =	sshra.s32 s0, $0x2  }
0x108: {  	v1 =	vld [tilespmem:s29+$0x7C80];
	_ =	sdelay $0x2  }
0x109: {  	p0 =	sne.s32 s0, $0x1C0;
	v2 =	vld [tilespmem:s29+$0xF980]  }
.Ltmp4:
0x10a: {  	_ = 	snop;
	(pc) =	sbr.rel @p0 .LBB2_8-.Ltmp4, $2  }
0x10b: {  	_ =	sdelay $0x2  }
0x10c: {  	s0 =	sadd.s32 $0x40, s0;
	[tilespmem:v1+s23+$0x0] =	vst.idx.add.f32.msk $0xffff, v2  }
0x10d: {  	s0 =	simm.s32 $0x80  }
0x10e: {  	[tilespmem:s19], [sflag:$0x3] =	stream.strided.gather [hbm4b:s9+s0], $0x3E80, s16, s0, $0x38;
	[tilespmem:$0x12200] =	vst v63  }
0x10f: {  	_ = 	snop  }
0x110: {  	[tilespmem:s20], [sflag:$0x4] =	stream.strided.gather [hbm4b:s10+s0], $0x3E80, s17, s0, $0x38;
	[tilespmem:$0x12200] =	vst v63  }
0x111: {  	_ =	swait.ge [sflag:s21], $0x3E80  }
0x112: {  	[sflag:s21] =	ssyncset.done $0x0  }
0x113: {  	[sflag:s21] =	ssyncadd.s32 $0xFFFFC180  }
0x114: {  	_ =	swait.ge [sflag:s22], $0x3E80  }
0x115: {  	[sflag:s22] =	ssyncset.done $0x0  }
0x116: {  	[sflag:s22] =	ssyncadd.s32 $0xFFFFC180  }
0x117: {  	v1 =	vld [tilespmem:s0+$0x70]  }
0x118: {  	v2 =	vld [tilespmem:s0+$0xFFFFFF90]  }
0x119: {  	s29 =	simm.s32 $0x7D80;
	v3 =	vld [tilespmem:s0+$0xFFFFFFA0]  }
0x11a: {  	v4 =	vld [tilespmem:s29+$0x70]  }
0x11b: {  	v5 =	vld [tilespmem:s0+$0xFFFFFFB0]  }
0x11c: {  	v6 =	vld [tilespmem:s0+$0xFFFFFFC0]  }
0x11d: {  	v7 =	vld [tilespmem:s0+$0xFFFFFFD0]  }
0x11e: {  	v8 =	vld [tilespmem:s0+$0xFFFFFFE0]  }
0x11f: {  	v63 =	vld [tilespmem:s0+$0x0]  }
0x120: {  	v9 =	vld [tilespmem:s0+$0x10]  }
0x121: {  	v10 =	vld [tilespmem:s0+$0x20]  }
0x122: {  	v11 =	vld [tilespmem:s0+$0x30]  }
0x123: {  	v12 =	vld [tilespmem:s0+$0x40]  }
0x124: {  	v13 =	vld [tilespmem:s0+$0x50]  }
0x125: {  	v14 =	vld [tilespmem:s0+$0x60]  }
0x126: {  	v15 =	vld [tilespmem:s0+$0xFFFFFF80]  }
0x127: {  	v16 =	vld [tilespmem:s29+$0xFFFFFF80]  }
0x128: {  	v17 =	vld [tilespmem:s29+$0xFFFFFF90]  }
0x129: {  	v18 =	vld [tilespmem:s29+$0xFFFFFFA0]  }
0x12a: {  	v19 =	vld [tilespmem:s29+$0xFFFFFFB0]  }
0x12b: {  	v20 =	vld [tilespmem:s29+$0xFFFFFFC0]  }
0x12c: {  	v21 =	vld [tilespmem:s29+$0xFFFFFFD0]  }
0x12d: {  	v22 =	vld [tilespmem:s29+$0xFFFFFFE0]  }
0x12e: {  	v23 =	vld [tilespmem:s29+$0xFFFFFFF0]  }
0x12f: {  	v24 =	vld [tilespmem:s29+$0x0]  }
0x130: {  	v25 =	vld [tilespmem:s29+$0x10]  }
0x131: {  	v26 =	vld [tilespmem:s29+$0x20]  }
0x132: {  	v27 =	vld [tilespmem:s29+$0x30]  }
0x133: {  	v28 =	vld [tilespmem:s29+$0x40]  }
0x134: {  	v29 =	vld [tilespmem:s29+$0x50]  }
0x135: {  	v30 =	vld [tilespmem:s29+$0x60]  }
0x136: {  	[tilespmem:v1+s23+$0x0] =	vst.idx.add.f32.msk $0xffff, v4  }
0x137: {  	v1 =	vld [tilespmem:s0+$0xFFFFFFF0]  }
0x138: {  	[tilespmem:v15+s23+$0x0] =	vst.idx.add.f32.msk $0xffff, v16  }
0x139: {  	[tilespmem:v2+s23+$0x0] =	vst.idx.add.f32.msk $0xffff, v17  }
0x13a: {  	[tilespmem:v3+s23+$0x0] =	vst.idx.add.f32.msk $0xffff, v18  }
0x13b: {  	[tilespmem:v5+s23+$0x0] =	vst.idx.add.f32.msk $0xffff, v19  }
0x13c: {  	[tilespmem:v6+s23+$0x0] =	vst.idx.add.f32.msk $0xffff, v20  }
0x13d: {  	[tilespmem:v7+s23+$0x0] =	vst.idx.add.f32.msk $0xffff, v21  }
0x13e: {  	[tilespmem:v8+s23+$0x0] =	vst.idx.add.f32.msk $0xffff, v22  }
0x13f: {  	[tilespmem:v63+s23+$0x0] =	vst.idx.add.f32.msk $0xffff, v24  }
0x140: {  	[tilespmem:v9+s23+$0x0] =	vst.idx.add.f32.msk $0xffff, v25  }
0x141: {  	[tilespmem:v10+s23+$0x0] =	vst.idx.add.f32.msk $0xffff, v26  }
0x142: {  	[tilespmem:v11+s23+$0x0] =	vst.idx.add.f32.msk $0xffff, v27  }
0x143: {  	[tilespmem:v12+s23+$0x0] =	vst.idx.add.f32.msk $0xffff, v28  }
0x144: {  	[tilespmem:v13+s23+$0x0] =	vst.idx.add.f32.msk $0xffff, v29  }
0x145: {  	[tilespmem:v14+s23+$0x0] =	vst.idx.add.f32.msk $0xffff, v30  }
0x146: {  	s30 =	simm.s32 $0x0;
	s31 =	simm.s32 $0x180;
	[tilespmem:v1+s23+$0x0] =	vst.idx.add.f32.msk $0xffff, v23  }
.LBB2_10:
0x147: {  	v1 =	vld [tilespmem:s31+$0x70];
	s30 =	sadd.s32 $0x10, s30  }
0x148: {  	v2 =	vld [tilespmem:s31+$0xFFFFFF90];
	p0 =	slt.u32 s30, $0x3D0  }
0x149: {  	s29 =	sadd.s32 $0x100, s29;
	v3 =	vld [tilespmem:s31+$0xFFFFFFA0]  }
0x14a: {  	v4 =	vld [tilespmem:s29+$0x70]  }
0x14b: {  	v5 =	vld [tilespmem:s31+$0xFFFFFFB0]  }
0x14c: {  	v6 =	vld [tilespmem:s31+$0xFFFFFFC0]  }
0x14d: {  	v7 =	vld [tilespmem:s31+$0xFFFFFFD0]  }
0x14e: {  	v8 =	vld [tilespmem:s31+$0xFFFFFFE0]  }
0x14f: {  	s0 =	simm.s32 $0x0;
	[tilespmem:v1+s23+$0x0] =	vst.idx.add.f32.msk $0xffff, v4  }
0x150: {  	v1 =	vld [tilespmem:s31+$0xFFFFFFF0]  }
0x151: {  	v4 =	vld [tilespmem:s31+$0x0]  }
0x152: {  	v9 =	vld [tilespmem:s31+$0x10]  }
0x153: {  	v10 =	vld [tilespmem:s31+$0x20]  }
0x154: {  	v11 =	vld [tilespmem:s31+$0x30]  }
0x155: {  	v12 =	vld [tilespmem:s31+$0x40]  }
0x156: {  	v13 =	vld [tilespmem:s31+$0x50]  }
0x157: {  	v14 =	vld [tilespmem:s31+$0x60]  }
0x158: {  	v15 =	vld [tilespmem:s31+$0xFFFFFF80]  }
0x159: {  	v16 =	vld [tilespmem:s29+$0xFFFFFF80]  }
0x15a: {  	v17 =	vld [tilespmem:s29+$0xFFFFFF90]  }
0x15b: {  	v18 =	vld [tilespmem:s29+$0xFFFFFFA0]  }
0x15c: {  	v19 =	vld [tilespmem:s29+$0xFFFFFFB0]  }
0x15d: {  	v20 =	vld [tilespmem:s29+$0xFFFFFFC0]  }
0x15e: {  	v21 =	vld [tilespmem:s29+$0xFFFFFFD0]  }
0x15f: {  	v22 =	vld [tilespmem:s29+$0xFFFFFFE0]  }
0x160: {  	v23 =	vld [tilespmem:s29+$0xFFFFFFF0]  }
0x161: {  	v24 =	vld [tilespmem:s29+$0x0]  }
0x162: {  	v25 =	vld [tilespmem:s29+$0x10]  }
0x163: {  	v26 =	vld [tilespmem:s29+$0x20]  }
0x164: {  	v27 =	vld [tilespmem:s29+$0x30]  }
0x165: {  	v28 =	vld [tilespmem:s29+$0x40]  }
0x166: {  	v29 =	vld [tilespmem:s29+$0x50]  }
0x167: {  	v30 =	vld [tilespmem:s29+$0x60]  }
0x168: {  	[tilespmem:v15+s23+$0x0] =	vst.idx.add.f32.msk $0xffff, v16  }
0x169: {  	[tilespmem:v2+s23+$0x0] =	vst.idx.add.f32.msk $0xffff, v17  }
0x16a: {  	[tilespmem:v3+s23+$0x0] =	vst.idx.add.f32.msk $0xffff, v18  }
0x16b: {  	[tilespmem:v5+s23+$0x0] =	vst.idx.add.f32.msk $0xffff, v19  }
0x16c: {  	[tilespmem:v6+s23+$0x0] =	vst.idx.add.f32.msk $0xffff, v20  }
0x16d: {  	[tilespmem:v7+s23+$0x0] =	vst.idx.add.f32.msk $0xffff, v21  }
0x16e: {  	[tilespmem:v8+s23+$0x0] =	vst.idx.add.f32.msk $0xffff, v22  }
0x16f: {  	[tilespmem:v1+s23+$0x0] =	vst.idx.add.f32.msk $0xffff, v23  }
0x170: {  	[tilespmem:v4+s23+$0x0] =	vst.idx.add.f32.msk $0xffff, v24  }
0x171: {  	[tilespmem:v9+s23+$0x0] =	vst.idx.add.f32.msk $0xffff, v25  }
.Ltmp5:
0x172: {  	[tilespmem:v10+s23+$0x0] =	vst.idx.add.f32.msk $0xffff, v26;
	(pc) =	sbr.rel @p0 .LBB2_10-.Ltmp5, $4  }
0x173: {  	[tilespmem:v11+s23+$0x0] =	vst.idx.add.f32.msk $0xffff, v27  }
0x174: {  	[tilespmem:v12+s23+$0x0] =	vst.idx.add.f32.msk $0xffff, v28  }
0x175: {  	[tilespmem:v13+s23+$0x0] =	vst.idx.add.f32.msk $0xffff, v29  }
0x176: {  	s31 =	sadd.s32 $0x100, s31;
	[tilespmem:v14+s23+$0x0] =	vst.idx.add.f32.msk $0xffff, v30  }
.LBB2_11:
0x177: {  	s29 =	sshra.s32 s0, $0x2  }
0x178: {  	v1 =	vld [tilespmem:s29+$0x3E00];
	_ =	sdelay $0x2  }
0x179: {  	p0 =	sne.s32 s0, $0x1C0;
	v2 =	vld [tilespmem:s29+$0xBB00]  }
.Ltmp6:
0x17a: {  	_ = 	snop;
	(pc) =	sbr.rel @p0 .LBB2_11-.Ltmp6, $2  }
0x17b: {  	_ =	sdelay $0x2  }
0x17c: {  	s0 =	sadd.s32 $0x40, s0;
	[tilespmem:v1+s23+$0x0] =	vst.idx.add.f32.msk $0xffff, v2  }
0x17d: {  	[tilespmem:s2], [sflag:$0x1] =	stream.strided.gather [hbm4b:s11+s15], $0x3E80, s16, s15, $0x38;
	[tilespmem:$0x12200] =	vst v63  }
0x17e: {  	_ = 	snop  }
0x17f: {  	[tilespmem:s18], [sflag:$0x2] =	stream.strided.gather [hbm4b:s12+s15], $0x3E80, s17, s15, $0x38;
	[tilespmem:$0x12200] =	vst v63  }
0x180: {  	_ =	swait.ge [sflag:s24], $0x3E80  }
0x181: {  	[sflag:s24] =	ssyncset.done $0x0  }
0x182: {  	[sflag:s24] =	ssyncadd.s32 $0xFFFFC180  }
0x183: {  	_ =	swait.ge [sflag:s25], $0x3E80  }
0x184: {  	[sflag:s25] =	ssyncset.done $0x0  }
0x185: {  	s0 =	simm.s32 $0x3F00;
	[sflag:s25] =	ssyncadd.s32 $0xFFFFC180  }
0x186: {  	v1 =	vld [tilespmem:s0+$0x70]  }
0x187: {  	v2 =	vld [tilespmem:s0+$0xFFFFFF90]  }
0x188: {  	s29 =	simm.s32 $0xBC00;
	v3 =	vld [tilespmem:s0+$0xFFFFFFA0]  }
0x189: {  	v4 =	vld [tilespmem:s29+$0x70]  }
0x18a: {  	v5 =	vld [tilespmem:s0+$0xFFFFFFB0]  }
0x18b: {  	v6 =	vld [tilespmem:s0+$0xFFFFFFC0]  }
0x18c: {  	v7 =	vld [tilespmem:s0+$0xFFFFFFD0]  }
0x18d: {  	v8 =	vld [tilespmem:s0+$0xFFFFFFE0]  }
0x18e: {  	v63 =	vld [tilespmem:s0+$0x0]  }
0x18f: {  	v9 =	vld [tilespmem:s0+$0x10]  }
0x190: {  	v10 =	vld [tilespmem:s0+$0x20]  }
0x191: {  	v11 =	vld [tilespmem:s0+$0x30]  }
0x192: {  	v12 =	vld [tilespmem:s0+$0x40]  }
0x193: {  	v13 =	vld [tilespmem:s0+$0x50]  }
0x194: {  	v14 =	vld [tilespmem:s0+$0x60]  }
0x195: {  	v15 =	vld [tilespmem:s0+$0xFFFFFF80]  }
0x196: {  	v16 =	vld [tilespmem:s29+$0xFFFFFF80]  }
0x197: {  	v17 =	vld [tilespmem:s29+$0xFFFFFF90]  }
0x198: {  	v18 =	vld [tilespmem:s29+$0xFFFFFFA0]  }
0x199: {  	v19 =	vld [tilespmem:s29+$0xFFFFFFB0]  }
0x19a: {  	v20 =	vld [tilespmem:s29+$0xFFFFFFC0]  }
0x19b: {  	v21 =	vld [tilespmem:s29+$0xFFFFFFD0]  }
0x19c: {  	v22 =	vld [tilespmem:s29+$0xFFFFFFE0]  }
0x19d: {  	v23 =	vld [tilespmem:s29+$0xFFFFFFF0]  }
0x19e: {  	v24 =	vld [tilespmem:s29+$0x0]  }
0x19f: {  	v25 =	vld [tilespmem:s29+$0x10]  }
0x1a0: {  	v26 =	vld [tilespmem:s29+$0x20]  }
0x1a1: {  	v27 =	vld [tilespmem:s29+$0x30]  }
0x1a2: {  	v28 =	vld [tilespmem:s29+$0x40]  }
0x1a3: {  	v29 =	vld [tilespmem:s29+$0x50]  }
0x1a4: {  	v30 =	vld [tilespmem:s29+$0x60]  }
0x1a5: {  	[tilespmem:v1+s23+$0x0] =	vst.idx.add.f32.msk $0xffff, v4  }
0x1a6: {  	v1 =	vld [tilespmem:s0+$0xFFFFFFF0]  }
0x1a7: {  	[tilespmem:v15+s23+$0x0] =	vst.idx.add.f32.msk $0xffff, v16  }
0x1a8: {  	[tilespmem:v2+s23+$0x0] =	vst.idx.add.f32.msk $0xffff, v17  }
0x1a9: {  	[tilespmem:v3+s23+$0x0] =	vst.idx.add.f32.msk $0xffff, v18  }
0x1aa: {  	[tilespmem:v5+s23+$0x0] =	vst.idx.add.f32.msk $0xffff, v19  }
0x1ab: {  	[tilespmem:v6+s23+$0x0] =	vst.idx.add.f32.msk $0xffff, v20  }
0x1ac: {  	[tilespmem:v7+s23+$0x0] =	vst.idx.add.f32.msk $0xffff, v21  }
0x1ad: {  	[tilespmem:v8+s23+$0x0] =	vst.idx.add.f32.msk $0xffff, v22  }
0x1ae: {  	[tilespmem:v63+s23+$0x0] =	vst.idx.add.f32.msk $0xffff, v24  }
0x1af: {  	[tilespmem:v9+s23+$0x0] =	vst.idx.add.f32.msk $0xffff, v25  }
0x1b0: {  	[tilespmem:v10+s23+$0x0] =	vst.idx.add.f32.msk $0xffff, v26  }
0x1b1: {  	[tilespmem:v11+s23+$0x0] =	vst.idx.add.f32.msk $0xffff, v27  }
0x1b2: {  	[tilespmem:v12+s23+$0x0] =	vst.idx.add.f32.msk $0xffff, v28  }
0x1b3: {  	[tilespmem:v13+s23+$0x0] =	vst.idx.add.f32.msk $0xffff, v29  }
0x1b4: {  	[tilespmem:v14+s23+$0x0] =	vst.idx.add.f32.msk $0xffff, v30  }
0x1b5: {  	s30 =	simm.s32 $0x0;
	s31 =	simm.s32 $0x4000;
	[tilespmem:v1+s23+$0x0] =	vst.idx.add.f32.msk $0xffff, v23  }
.LBB2_13:
0x1b6: {  	v1 =	vld [tilespmem:s31+$0x70];
	s30 =	sadd.s32 $0x10, s30  }
0x1b7: {  	v2 =	vld [tilespmem:s31+$0xFFFFFF90];
	p0 =	slt.u32 s30, $0x3D0  }
0x1b8: {  	s29 =	sadd.s32 $0x100, s29;
	v3 =	vld [tilespmem:s31+$0xFFFFFFA0]  }
0x1b9: {  	v4 =	vld [tilespmem:s29+$0x70]  }
0x1ba: {  	v5 =	vld [tilespmem:s31+$0xFFFFFFB0]  }
0x1bb: {  	v6 =	vld [tilespmem:s31+$0xFFFFFFC0]  }
0x1bc: {  	v7 =	vld [tilespmem:s31+$0xFFFFFFD0]  }
0x1bd: {  	v8 =	vld [tilespmem:s31+$0xFFFFFFE0]  }
0x1be: {  	s0 =	simm.s32 $0x0;
	[tilespmem:v1+s23+$0x0] =	vst.idx.add.f32.msk $0xffff, v4  }
0x1bf: {  	v1 =	vld [tilespmem:s31+$0xFFFFFFF0]  }
0x1c0: {  	v4 =	vld [tilespmem:s31+$0x0]  }
0x1c1: {  	v9 =	vld [tilespmem:s31+$0x10]  }
0x1c2: {  	v10 =	vld [tilespmem:s31+$0x20]  }
0x1c3: {  	v11 =	vld [tilespmem:s31+$0x30]  }
0x1c4: {  	v12 =	vld [tilespmem:s31+$0x40]  }
0x1c5: {  	v13 =	vld [tilespmem:s31+$0x50]  }
0x1c6: {  	v14 =	vld [tilespmem:s31+$0x60]  }
0x1c7: {  	v15 =	vld [tilespmem:s31+$0xFFFFFF80]  }
0x1c8: {  	v16 =	vld [tilespmem:s29+$0xFFFFFF80]  }
0x1c9: {  	v17 =	vld [tilespmem:s29+$0xFFFFFF90]  }
0x1ca: {  	v18 =	vld [tilespmem:s29+$0xFFFFFFA0]  }
0x1cb: {  	v19 =	vld [tilespmem:s29+$0xFFFFFFB0]  }
0x1cc: {  	v20 =	vld [tilespmem:s29+$0xFFFFFFC0]  }
0x1cd: {  	v21 =	vld [tilespmem:s29+$0xFFFFFFD0]  }
0x1ce: {  	v22 =	vld [tilespmem:s29+$0xFFFFFFE0]  }
0x1cf: {  	v23 =	vld [tilespmem:s29+$0xFFFFFFF0]  }
0x1d0: {  	v24 =	vld [tilespmem:s29+$0x0]  }
0x1d1: {  	v25 =	vld [tilespmem:s29+$0x10]  }
0x1d2: {  	v26 =	vld [tilespmem:s29+$0x20]  }
0x1d3: {  	v27 =	vld [tilespmem:s29+$0x30]  }
0x1d4: {  	v28 =	vld [tilespmem:s29+$0x40]  }
0x1d5: {  	v29 =	vld [tilespmem:s29+$0x50]  }
0x1d6: {  	v30 =	vld [tilespmem:s29+$0x60]  }
0x1d7: {  	[tilespmem:v15+s23+$0x0] =	vst.idx.add.f32.msk $0xffff, v16  }
0x1d8: {  	[tilespmem:v2+s23+$0x0] =	vst.idx.add.f32.msk $0xffff, v17  }
0x1d9: {  	[tilespmem:v3+s23+$0x0] =	vst.idx.add.f32.msk $0xffff, v18  }
0x1da: {  	[tilespmem:v5+s23+$0x0] =	vst.idx.add.f32.msk $0xffff, v19  }
0x1db: {  	[tilespmem:v6+s23+$0x0] =	vst.idx.add.f32.msk $0xffff, v20  }
0x1dc: {  	[tilespmem:v7+s23+$0x0] =	vst.idx.add.f32.msk $0xffff, v21  }
0x1dd: {  	[tilespmem:v8+s23+$0x0] =	vst.idx.add.f32.msk $0xffff, v22  }
0x1de: {  	[tilespmem:v1+s23+$0x0] =	vst.idx.add.f32.msk $0xffff, v23  }
0x1df: {  	[tilespmem:v4+s23+$0x0] =	vst.idx.add.f32.msk $0xffff, v24  }
0x1e0: {  	[tilespmem:v9+s23+$0x0] =	vst.idx.add.f32.msk $0xffff, v25  }
.Ltmp7:
0x1e1: {  	[tilespmem:v10+s23+$0x0] =	vst.idx.add.f32.msk $0xffff, v26;
	(pc) =	sbr.rel @p0 .LBB2_13-.Ltmp7, $4  }
0x1e2: {  	[tilespmem:v11+s23+$0x0] =	vst.idx.add.f32.msk $0xffff, v27  }
0x1e3: {  	[tilespmem:v12+s23+$0x0] =	vst.idx.add.f32.msk $0xffff, v28  }
0x1e4: {  	[tilespmem:v13+s23+$0x0] =	vst.idx.add.f32.msk $0xffff, v29  }
0x1e5: {  	s31 =	sadd.s32 $0x100, s31;
	[tilespmem:v14+s23+$0x0] =	vst.idx.add.f32.msk $0xffff, v30  }
.LBB2_14:
0x1e6: {  	s29 =	sshra.s32 s0, $0x2  }
0x1e7: {  	v1 =	vld [tilespmem:s29+$0x7C80];
	_ =	sdelay $0x2  }
0x1e8: {  	p0 =	sne.s32 s0, $0x1C0;
	v2 =	vld [tilespmem:s29+$0xF980]  }
.Ltmp8:
0x1e9: {  	_ = 	snop;
	(pc) =	sbr.rel @p0 .LBB2_14-.Ltmp8, $2  }
0x1ea: {  	_ =	sdelay $0x2  }
0x1eb: {  	s0 =	sadd.s32 $0x40, s0;
	[tilespmem:v1+s23+$0x0] =	vst.idx.add.f32.msk $0xffff, v2  }
0x1ec: {  	_ =	swait.ge [sflag:s21], $0x3E80  }
0x1ed: {  	[sflag:s21] =	ssyncset.done $0x0  }
0x1ee: {  	[sflag:s21] =	ssyncadd.s32 $0xFFFFC180  }
0x1ef: {  	_ =	swait.ge [sflag:s22], $0x3E80  }
0x1f0: {  	[sflag:s22] =	ssyncset.done $0x0  }
0x1f1: {  	s0 =	simm.s32 $0x80;
	[sflag:s22] =	ssyncadd.s32 $0xFFFFC180  }
0x1f2: {  	v1 =	vld [tilespmem:s0+$0x70]  }
0x1f3: {  	v2 =	vld [tilespmem:s0+$0xFFFFFF90]  }
0x1f4: {  	s29 =	simm.s32 $0x7D80;
	v3 =	vld [tilespmem:s0+$0xFFFFFFA0]  }
0x1f5: {  	v4 =	vld [tilespmem:s29+$0x70]  }
0x1f6: {  	v5 =	vld [tilespmem:s0+$0xFFFFFFB0]  }
0x1f7: {  	v6 =	vld [tilespmem:s0+$0xFFFFFFC0]  }
0x1f8: {  	v7 =	vld [tilespmem:s0+$0xFFFFFFD0]  }
0x1f9: {  	v8 =	vld [tilespmem:s0+$0xFFFFFFE0]  }
0x1fa: {  	v63 =	vld [tilespmem:s0+$0x0]  }
0x1fb: {  	v9 =	vld [tilespmem:s0+$0x10]  }
0x1fc: {  	v10 =	vld [tilespmem:s0+$0x20]  }
0x1fd: {  	v11 =	vld [tilespmem:s0+$0x30]  }
0x1fe: {  	v12 =	vld [tilespmem:s0+$0x40]  }
0x1ff: {  	v13 =	vld [tilespmem:s0+$0x50]  }
0x200: {  	v14 =	vld [tilespmem:s0+$0x60]  }
0x201: {  	v15 =	vld [tilespmem:s0+$0xFFFFFF80]  }
0x202: {  	v16 =	vld [tilespmem:s29+$0xFFFFFF80]  }
0x203: {  	v17 =	vld [tilespmem:s29+$0xFFFFFF90]  }
0x204: {  	v18 =	vld [tilespmem:s29+$0xFFFFFFA0]  }
0x205: {  	v19 =	vld [tilespmem:s29+$0xFFFFFFB0]  }
0x206: {  	v20 =	vld [tilespmem:s29+$0xFFFFFFC0]  }
0x207: {  	v21 =	vld [tilespmem:s29+$0xFFFFFFD0]  }
0x208: {  	v22 =	vld [tilespmem:s29+$0xFFFFFFE0]  }
0x209: {  	v23 =	vld [tilespmem:s29+$0xFFFFFFF0]  }
0x20a: {  	v24 =	vld [tilespmem:s29+$0x0]  }
0x20b: {  	v25 =	vld [tilespmem:s29+$0x10]  }
0x20c: {  	v26 =	vld [tilespmem:s29+$0x20]  }
0x20d: {  	v27 =	vld [tilespmem:s29+$0x30]  }
0x20e: {  	v28 =	vld [tilespmem:s29+$0x40]  }
0x20f: {  	v29 =	vld [tilespmem:s29+$0x50]  }
0x210: {  	v30 =	vld [tilespmem:s29+$0x60]  }
0x211: {  	[tilespmem:v1+s23+$0x0] =	vst.idx.add.f32.msk $0xffff, v4  }
0x212: {  	v1 =	vld [tilespmem:s0+$0xFFFFFFF0]  }
0x213: {  	[tilespmem:v15+s23+$0x0] =	vst.idx.add.f32.msk $0xffff, v16  }
0x214: {  	[tilespmem:v2+s23+$0x0] =	vst.idx.add.f32.msk $0xffff, v17  }
0x215: {  	[tilespmem:v3+s23+$0x0] =	vst.idx.add.f32.msk $0xffff, v18  }
0x216: {  	[tilespmem:v5+s23+$0x0] =	vst.idx.add.f32.msk $0xffff, v19  }
0x217: {  	[tilespmem:v6+s23+$0x0] =	vst.idx.add.f32.msk $0xffff, v20  }
0x218: {  	[tilespmem:v7+s23+$0x0] =	vst.idx.add.f32.msk $0xffff, v21  }
0x219: {  	[tilespmem:v8+s23+$0x0] =	vst.idx.add.f32.msk $0xffff, v22  }
0x21a: {  	[tilespmem:v63+s23+$0x0] =	vst.idx.add.f32.msk $0xffff, v24  }
0x21b: {  	[tilespmem:v9+s23+$0x0] =	vst.idx.add.f32.msk $0xffff, v25  }
0x21c: {  	[tilespmem:v10+s23+$0x0] =	vst.idx.add.f32.msk $0xffff, v26  }
0x21d: {  	[tilespmem:v11+s23+$0x0] =	vst.idx.add.f32.msk $0xffff, v27  }
0x21e: {  	[tilespmem:v12+s23+$0x0] =	vst.idx.add.f32.msk $0xffff, v28  }
0x21f: {  	[tilespmem:v13+s23+$0x0] =	vst.idx.add.f32.msk $0xffff, v29  }
0x220: {  	[tilespmem:v14+s23+$0x0] =	vst.idx.add.f32.msk $0xffff, v30  }
0x221: {  	s30 =	simm.s32 $0x0;
	s31 =	simm.s32 $0x180;
	[tilespmem:v1+s23+$0x0] =	vst.idx.add.f32.msk $0xffff, v23  }
.LBB2_16:
0x222: {  	v1 =	vld [tilespmem:s31+$0x70];
	s30 =	sadd.s32 $0x10, s30  }
0x223: {  	v2 =	vld [tilespmem:s31+$0xFFFFFF90];
	p0 =	slt.u32 s30, $0x3D0  }
0x224: {  	s29 =	sadd.s32 $0x100, s29;
	v3 =	vld [tilespmem:s31+$0xFFFFFFA0]  }
0x225: {  	v4 =	vld [tilespmem:s29+$0x70]  }
0x226: {  	v5 =	vld [tilespmem:s31+$0xFFFFFFB0]  }
0x227: {  	v6 =	vld [tilespmem:s31+$0xFFFFFFC0]  }
0x228: {  	v7 =	vld [tilespmem:s31+$0xFFFFFFD0]  }
0x229: {  	v8 =	vld [tilespmem:s31+$0xFFFFFFE0]  }
0x22a: {  	s0 =	simm.s32 $0x0;
	[tilespmem:v1+s23+$0x0] =	vst.idx.add.f32.msk $0xffff, v4  }
0x22b: {  	v1 =	vld [tilespmem:s31+$0xFFFFFFF0]  }
0x22c: {  	v4 =	vld [tilespmem:s31+$0x0]  }
0x22d: {  	v9 =	vld [tilespmem:s31+$0x10]  }
0x22e: {  	v10 =	vld [tilespmem:s31+$0x20]  }
0x22f: {  	v11 =	vld [tilespmem:s31+$0x30]  }
0x230: {  	v12 =	vld [tilespmem:s31+$0x40]  }
0x231: {  	v13 =	vld [tilespmem:s31+$0x50]  }
0x232: {  	v14 =	vld [tilespmem:s31+$0x60]  }
0x233: {  	v15 =	vld [tilespmem:s31+$0xFFFFFF80]  }
0x234: {  	v16 =	vld [tilespmem:s29+$0xFFFFFF80]  }
0x235: {  	v17 =	vld [tilespmem:s29+$0xFFFFFF90]  }
0x236: {  	v18 =	vld [tilespmem:s29+$0xFFFFFFA0]  }
0x237: {  	v19 =	vld [tilespmem:s29+$0xFFFFFFB0]  }
0x238: {  	v20 =	vld [tilespmem:s29+$0xFFFFFFC0]  }
0x239: {  	v21 =	vld [tilespmem:s29+$0xFFFFFFD0]  }
0x23a: {  	v22 =	vld [tilespmem:s29+$0xFFFFFFE0]  }
0x23b: {  	v23 =	vld [tilespmem:s29+$0xFFFFFFF0]  }
0x23c: {  	v24 =	vld [tilespmem:s29+$0x0]  }
0x23d: {  	v25 =	vld [tilespmem:s29+$0x10]  }
0x23e: {  	v26 =	vld [tilespmem:s29+$0x20]  }
0x23f: {  	v27 =	vld [tilespmem:s29+$0x30]  }
0x240: {  	v28 =	vld [tilespmem:s29+$0x40]  }
0x241: {  	v29 =	vld [tilespmem:s29+$0x50]  }
0x242: {  	v30 =	vld [tilespmem:s29+$0x60]  }
0x243: {  	[tilespmem:v15+s23+$0x0] =	vst.idx.add.f32.msk $0xffff, v16  }
0x244: {  	[tilespmem:v2+s23+$0x0] =	vst.idx.add.f32.msk $0xffff, v17  }
0x245: {  	[tilespmem:v3+s23+$0x0] =	vst.idx.add.f32.msk $0xffff, v18  }
0x246: {  	[tilespmem:v5+s23+$0x0] =	vst.idx.add.f32.msk $0xffff, v19  }
0x247: {  	[tilespmem:v6+s23+$0x0] =	vst.idx.add.f32.msk $0xffff, v20  }
0x248: {  	[tilespmem:v7+s23+$0x0] =	vst.idx.add.f32.msk $0xffff, v21  }
0x249: {  	[tilespmem:v8+s23+$0x0] =	vst.idx.add.f32.msk $0xffff, v22  }
0x24a: {  	[tilespmem:v1+s23+$0x0] =	vst.idx.add.f32.msk $0xffff, v23  }
0x24b: {  	[tilespmem:v4+s23+$0x0] =	vst.idx.add.f32.msk $0xffff, v24  }
0x24c: {  	[tilespmem:v9+s23+$0x0] =	vst.idx.add.f32.msk $0xffff, v25  }
.Ltmp9:
0x24d: {  	[tilespmem:v10+s23+$0x0] =	vst.idx.add.f32.msk $0xffff, v26;
	(pc) =	sbr.rel @p0 .LBB2_16-.Ltmp9, $4  }
0x24e: {  	[tilespmem:v11+s23+$0x0] =	vst.idx.add.f32.msk $0xffff, v27  }
0x24f: {  	[tilespmem:v12+s23+$0x0] =	vst.idx.add.f32.msk $0xffff, v28  }
0x250: {  	[tilespmem:v13+s23+$0x0] =	vst.idx.add.f32.msk $0xffff, v29  }
0x251: {  	s31 =	sadd.s32 $0x100, s31;
	[tilespmem:v14+s23+$0x0] =	vst.idx.add.f32.msk $0xffff, v30  }
.LBB2_17:
0x252: {  	s29 =	sshra.s32 s0, $0x2  }
0x253: {  	v1 =	vld [tilespmem:s29+$0x3E00];
	_ =	sdelay $0x2  }
0x254: {  	p0 =	sne.s32 s0, $0x1C0;
	v2 =	vld [tilespmem:s29+$0xBB00]  }
.Ltmp10:
0x255: {  	_ = 	snop;
	(pc) =	sbr.rel @p0 .LBB2_17-.Ltmp10, $2  }
0x256: {  	_ =	sdelay $0x2  }
0x257: {  	s0 =	sadd.s32 $0x40, s0;
	[tilespmem:v1+s23+$0x0] =	vst.idx.add.f32.msk $0xffff, v2  }
0x258: {  	s28 =	sadd.s32 $0x1, s28  }
0x259: {  	p0 =	sne.s32 s28, s14  }
.Ltmp11:
0x25a: {  	_ = 	snop;
	(pc) =	sbr.rel @p0 .LBB2_1-.Ltmp11, $4  }
0x25b: {  	[hbm4b:s13+s2] =	stream.linear.scatter [tilespmem:s23], [sflag:$0x5], $0x2800, $0x38;
	[tilespmem:$0x12200] =	vst v63  }
0x25c: {  	_ =	swait.ge [sflag:s26], $0x2800  }
0x25d: {  	[sflag:s26] =	ssyncset.done $0x0  }
0x25e: {  	[sflag:s26] =	ssyncadd.s32 $0xFFFFD800  }
0x25f: {  	_ =	sfence.sel $0x180000  }
0x260: {  	[bflag:$0x0] =	sbarrier.arrive $0xFFFF  }
0x261: {  	_ =	strace $0x90000047  }
0x262: {  	[bflag:$0x2] =	sbarrier.arrive $0xFFFF  }
0x263: {  	p0 =	sne.s32 s1, $0x0;
	s0 =	rddreg [dreg:$0x3]  }
0x264: {  	s0 =	sadd.s32 @!p0 $0x100000, s0  }
0x265: {  	[sflag:s0] =	ssyncadd.tile.s32 @!p0 $0x1;
	_ =	shalt  }
.Lfunc_end2:
_tile_overlayer_lowered:
.L_overlay_start_2:
0x266: {  	(tag) =	ssettag $0x2  }
0x267: {  	s0 =	rddreg [dreg:$0x0];
	s2 =	stileid.u32  }
0x268: {  	s1 =	rddreg [dreg:$0x1];
	p0 =	sne.s32 s2, $0x0  }
0x269: {  	s3 =	rddreg [dreg:$0x2];
	[bflag:$0x3] =	sbarrier.arrive $0xFFFF;
	s2 =	simm.s32 @!p0 $0x1C05  }
0x26a: {  	[timem:s3], [sflag:s2] =	dma.local @!p0 [hbm:s0], s1  }
0x26b: {  	s0 =	simm.s32 @!p0 $0x5  }
0x26c: {  	_ =	swait.ge @!p0 [sflag:s0], s1  }
0x26d: {  	s1 =	ssub.s32 @!p0 $0x0, s1;
	[sflag:s0] =	ssyncset.done @!p0 $0x0  }
0x26e: {  	[sflag:s0] =	ssyncadd.s32 @!p0 s1  }
0x26f: {  	[bflag:$0x3] =	sbarrier.arrive $0xFFFF  }
0x270: {  	_ =	shalt  }

</sc_bundles>
